<compile_context>
chip_gen: v7x
topology: tpu7x:2x2x1
jax: 0.10.2.dev20260603
libtpu: 0.0.44.dev20260713+nightly
codegen_flags: <defaults>
</compile_context>

<pallas_src>
import jax
import jax.numpy as jnp
from jax import lax
from jax.experimental import pallas as pl
from jax.experimental.pallas import tpu as pltpu
from jax.experimental.pallas import tpu_sc as plsc

VOCAB = 100000
D = 64
B = 4096
L = 200

NC = 2
NS = 16
NW = NC * NS

ROWS = B * L
RPW = ROWS // NW
CHUNK = 100
NCHUNK = RPW // CHUNK

NPAIR = NCHUNK // 2
NBUF = 2


def _sc_kernel(fused_hbm, idx_hbm, pe_hbm, out_hbm, idx_v, pe_v, gbuf, obuf,
               g0, g1, o0, o1):
    wid = lax.axis_index("s") * NC + lax.axis_index("c")
    gsem = (g0, g1)
    osem = (o0, o1)

    pltpu.sync_copy(idx_hbm.at[pl.ds(wid * NPAIR, NPAIR)], idx_v)
    pltpu.sync_copy(pe_hbm, pe_v)

    SPLIT = 104

    def g_copy(b, c, t):
        lo = 0 if t == 0 else SPLIT
        n = SPLIT if t == 0 else L - SPLIT
        return pltpu.make_async_copy(
            fused_hbm.at[idx_v.at[c, pl.ds(lo, n)]],
            gbuf.at[b, pl.ds(lo, n)], gsem[b])

    def g_start(b, c):
        for t in range(2):
            g_copy(b, c, t).start()

    def g_wait(b, c):
        for t in range(2):
            g_copy(b, c, t).wait()

    def o_copy(b, c):
        return pltpu.make_async_copy(
            obuf.at[b],
            out_hbm.at[wid * NPAIR + c, :, pl.ds(0, D)],
            osem[b])

    def add_pe(b):
        @plsc.parallel_loop(0, L, unroll=4)
        def _(j):
            for g in range(4):
                sl = pl.ds(g * 16, 16)
                obuf[b, j, sl] = gbuf[b, j, sl] + pe_v[j, sl]

    for b in range(NBUF):
        g_start(b, b)

    for b in range(NBUF):
        g_wait(b, b)
        add_pe(b)
        o_copy(b, b).start()
        g_start(b, b + NBUF)

    def steady(o, carry):
        for b in range(NBUF):
            c = o * NBUF + b
            g_wait(b, c)
            o_copy(b, c - NBUF).wait()
            add_pe(b)
            o_copy(b, c).start()
            g_start(b, c + NBUF)
        return carry

    lax.fori_loop(1, NPAIR // NBUF - 1, steady, 0)

    for b in range(NBUF):
        c = NPAIR - NBUF + b
        g_wait(b, c)
        o_copy(b, c - NBUF).wait()
        add_pe(b)
        o_copy(b, c).start()
    for b in range(NBUF):
        o_copy(b, NPAIR - NBUF + b).wait()


@jax.jit
def kernel(x, special_table, molecule_table, pe):
    s0 = special_table[0:1]
    fused = molecule_table.at[:4].add(special_table - s0)
    pe_eff = pe[0] + s0
    idx = x.astype(jnp.int32)

    mesh = plsc.VectorSubcoreMesh(core_axis_name="c", subcore_axis_name="s")
    out = pl.kernel(
        _sc_kernel,
        out_type=jax.ShapeDtypeStruct((B, L, 2 * D), jnp.float32),
        mesh=mesh,
        compiler_params=pltpu.CompilerParams(use_tc_tiling_on_sc=False),
        scratch_types=[
            pltpu.VMEM((NPAIR, L), jnp.int32),
            pltpu.VMEM((L, D), jnp.float32),
            pltpu.VMEM((NBUF, L, D), jnp.float32),
            pltpu.VMEM((NBUF, L, D), jnp.float32),
            pltpu.SemaphoreType.DMA,
            pltpu.SemaphoreType.DMA,
            pltpu.SemaphoreType.DMA,
            pltpu.SemaphoreType.DMA,
        ],
    )(fused, idx, pe_eff)
    return out[:, :, :D]

# --- scband reference (transcript-rebuilt; emitter-appended) ---
"""Pipeline reference for scband-food-embeddings-67242007987075 (READ-ONLY COPY).

The authoritative reference and input builder live on the scoring server;
editing this copy changes nothing except your own understanding.
"""

import jax, jax.numpy as jnp
import numpy as np
import math

VOCAB = 100000
D = 64
B = 4096
L = 200
N_SPECIAL = 4


def _make_pe(d_model, max_len):
    position = np.arange(max_len, dtype=np.float64)[:, None]
    div_term = np.exp(np.arange(0, d_model, 2, dtype=np.float64) * (-math.log(10000.0) / d_model))
    pe = np.zeros((1, max_len, d_model), dtype=np.float32)
    pe[0, :, 0::2] = np.sin(position * div_term)
    pe[0, :, 1::2] = np.cos(position * div_term)
    return jnp.asarray(pe)


def setup_inputs(seed: int = 0):
    key = jax.random.key(seed)
    k1, k2, k3 = jax.random.split(key, 3)
    x = jax.random.randint(k1, (B, L), 0, VOCAB)
    special_table = jax.random.normal(k2, (N_SPECIAL, D), dtype=jnp.float32) * 0.02
    # padding_idx=0 in the torch module -> row 0 of special table is zeros
    special_table = special_table.at[0].set(0.0)
    molecule_table = jax.random.normal(k3, (VOCAB, D), dtype=jnp.float32) * 0.02
    pe = _make_pe(D, L)
    return {"x": x, "special_table": special_table, "molecule_table": molecule_table, "pe": pe}


def reference(x, special_table, molecule_table, pe):
    # special_tokens_mask = x < 4; non-special positions select row 0 (padding row)
    special_mask = x < N_SPECIAL
    special_sel = jnp.where(special_mask, x, 0)
    e = jnp.take(molecule_table, x, axis=0) + jnp.take(special_table, special_sel, axis=0)
    # PositionalEncoding with dropout=0: x = x + pe[:x.size(0)] ; pe has leading dim 1,
    # so pe[:batch] == pe and it broadcasts over the batch dimension (max_len == L).
    e = e + pe
    return e

if __name__ == "__main__":
    import jax
    _d = setup_inputs()
    print(jax.jit(kernel)(*tuple(_d.values())))

</pallas_src>

<mosaic_0001>
#map = affine_map<(d0, d1) -> (0, 0)>
#map1 = affine_map<(d0, d1) -> (0, 0, 0)>
module attributes {stable_mosaic.version = 14 : i64} {
  func.func @_sc_kernel(%arg0: i32, %arg1: i32, %arg2: memref<100000x64xf32, #tpu.memory_space<hbm>>, %arg3: memref<4096x200xi32, #tpu.memory_space<hbm>>, %arg4: memref<200x64xf32, #tpu.memory_space<hbm>>, %arg5: memref<4096x200x128xf32, #tpu.memory_space<hbm>>, %arg6: memref<128x200xi32, #tpu.memory_space<vmem>>, %arg7: memref<200x64xf32, #tpu.memory_space<vmem>>, %arg8: memref<2x200x64xf32, #tpu.memory_space<vmem>>, %arg9: memref<2x200x64xf32, #tpu.memory_space<vmem>>, %arg10: memref<!tpu.dma_semaphore, #tpu.memory_space<semaphore_mem>>, %arg11: memref<!tpu.dma_semaphore, #tpu.memory_space<semaphore_mem>>, %arg12: memref<!tpu.dma_semaphore, #tpu.memory_space<semaphore_mem>>, %arg13: memref<!tpu.dma_semaphore, #tpu.memory_space<semaphore_mem>>) attributes {dimension_semantics = [#tpu.dimension_semantics<core_parallel>, #tpu.dimension_semantics<subcore_parallel>], iteration_bounds = array<i64: 2, 16>, scalar_prefetch = 0 : i64, scratch_operands = 8 : i64, tpu.core_type = #tpu.core_type<sc_vector_subcore>, window_params = [{transform_indices = #map}, {transform_indices = #map}, {transform_indices = #map}, {transform_indices = #map1}]} {
    %mul3A = arith.constant 2 : i32
    %mul3A_0 = arith.muli %arg1, %mul3A : i32
    %add3A = arith.addi %mul3A_0, %arg0 : i32
    %mul3A_1 = arith.constant 128 : i32
    %mul3A_2 = arith.muli %add3A, %mul3A_1 : i32
    "tpu.region"() ({
      %run_scoped3A = tpu.sem_alloc : memref<!tpu.dma_semaphore, #tpu.memory_space<semaphore_mem>>
      %dma_start3A_377 = arith.constant 0 : i32
      %dma_start3A_378 = tpu.memref_slice %arg3[%mul3A_2, %dma_start3A_377] : memref<4096x200xi32, #tpu.memory_space<hbm>> -> memref<128x200xi32, #tpu.memory_space<hbm>>
      %dma_start3A_379 = arith.constant 0 : i32
      %dma_start3A_380 = tpu.memref_slice %arg3[%mul3A_2, %dma_start3A_379] : memref<4096x200xi32, #tpu.memory_space<hbm>> -> memref<128x200xi32, #tpu.memory_space<hbm>>
      tpu.enqueue_dma source(%dma_start3A_380 : memref<128x200xi32, #tpu.memory_space<hbm>>) target(%arg6 : memref<128x200xi32, #tpu.memory_space<vmem>>) target_semaphore(%run_scoped3A : memref<!tpu.dma_semaphore, #tpu.memory_space<semaphore_mem>>)
      %dma_wait3A_381 = arith.constant 0 : i32
      %dma_wait3A_382 = tpu.memref_slice %arg3[%mul3A_2, %dma_wait3A_381] : memref<4096x200xi32, #tpu.memory_space<hbm>> -> memref<128x200xi32, #tpu.memory_space<hbm>>
      %dma_wait3A_383 = arith.constant 0 : i32
      %dma_wait3A_384 = tpu.memref_slice %arg3[%mul3A_2, %dma_wait3A_383] : memref<4096x200xi32, #tpu.memory_space<hbm>> -> memref<128x200xi32, #tpu.memory_space<hbm>>
      tpu.wait_dma2 semaphore(%run_scoped3A : memref<!tpu.dma_semaphore, #tpu.memory_space<semaphore_mem>>) src(%dma_wait3A_384 : memref<128x200xi32, #tpu.memory_space<hbm>>) dst(%arg6 : memref<128x200xi32, #tpu.memory_space<vmem>>)
      tpu.yield
    }) : () -> ()
    "tpu.region"() ({
      %run_scoped3A = tpu.sem_alloc : memref<!tpu.dma_semaphore, #tpu.memory_space<semaphore_mem>>
      tpu.enqueue_dma source(%arg4 : memref<200x64xf32, #tpu.memory_space<hbm>>) target(%arg7 : memref<200x64xf32, #tpu.memory_space<vmem>>) target_semaphore(%run_scoped3A : memref<!tpu.dma_semaphore, #tpu.memory_space<semaphore_mem>>)
      tpu.wait_dma2 semaphore(%run_scoped3A : memref<!tpu.dma_semaphore, #tpu.memory_space<semaphore_mem>>) src(%arg4 : memref<200x64xf32, #tpu.memory_space<hbm>>) dst(%arg7 : memref<200x64xf32, #tpu.memory_space<vmem>>)
      tpu.yield
    }) : () -> ()
    %dma_start3A = arith.constant 0 : i32
    %dma_start3A_3 = arith.constant 0 : i32
    %dma_start3A_4 = arith.constant 0 : i32
    %dma_start3A_5 = arith.constant 0 : i32
    %dma_start3A_6 = tpu.memref_slice %arg8[%dma_start3A_3, %dma_start3A_4, %dma_start3A_5] : memref<2x200x64xf32, #tpu.memory_space<vmem>> -> memref<1x104x64xf32, #tpu.memory_space<vmem>>
    %dma_start3A_7 = tpu.memref_squeeze %dma_start3A_6 : memref<1x104x64xf32, #tpu.memory_space<vmem>> -> memref<104x64xf32, #tpu.memory_space<vmem>>
    %dma_start3A_8 = arith.constant 0 : i32
    %dma_start3A_9 = tpu.memref_slice %arg6[%dma_start3A, %dma_start3A_8] : memref<128x200xi32, #tpu.memory_space<vmem>> -> memref<1x104xi32, #tpu.memory_space<vmem>>
    %dma_start3A_10 = tpu.memref_squeeze %dma_start3A_9 : memref<1x104xi32, #tpu.memory_space<vmem>> -> memref<104xi32, #tpu.memory_space<vmem>>
    %dma_start3A_11 = arith.constant 0 : i32
    %dma_start3A_12 = arith.constant 0 : i32
    %dma_start3A_13 = tpu.memref_slice %arg2[%dma_start3A_11, %dma_start3A_12] : memref<100000x64xf32, #tpu.memory_space<hbm>> -> memref<100000x64xf32, #tpu.memory_space<hbm>>
    tpu.enqueue_indirect_dma source(%dma_start3A_13 : memref<100000x64xf32, #tpu.memory_space<hbm>>) target(%dma_start3A_7 : memref<104x64xf32, #tpu.memory_space<vmem>>) offsets(%dma_start3A_10 : memref<104xi32, #tpu.memory_space<vmem>>) semaphore(%arg10 : memref<!tpu.dma_semaphore, #tpu.memory_space<semaphore_mem>>)
    %dma_start3A_14 = arith.constant 0 : i32
    %dma_start3A_15 = arith.constant 0 : i32
    %dma_start3A_16 = arith.constant 104 : i32
    %dma_start3A_17 = arith.constant 0 : i32
    %dma_start3A_18 = tpu.memref_slice %arg8[%dma_start3A_15, %dma_start3A_16, %dma_start3A_17] : memref<2x200x64xf32, #tpu.memory_space<vmem>> -> memref<1x96x64xf32, #tpu.memory_space<vmem>>
    %dma_start3A_19 = tpu.memref_squeeze %dma_start3A_18 : memref<1x96x64xf32, #tpu.memory_space<vmem>> -> memref<96x64xf32, #tpu.memory_space<vmem>>
    %dma_start3A_20 = arith.constant 104 : i32
    %dma_start3A_21 = tpu.memref_slice %arg6[%dma_start3A_14, %dma_start3A_20] : memref<128x200xi32, #tpu.memory_space<vmem>> -> memref<1x96xi32, #tpu.memory_space<vmem>>
    %dma_start3A_22 = tpu.memref_squeeze %dma_start3A_21 : memref<1x96xi32, #tpu.memory_space<vmem>> -> memref<96xi32, #tpu.memory_space<vmem>>
    %dma_start3A_23 = arith.constant 0 : i32
    %dma_start3A_24 = arith.constant 0 : i32
    %dma_start3A_25 = tpu.memref_slice %arg2[%dma_start3A_23, %dma_start3A_24] : memref<100000x64xf32, #tpu.memory_space<hbm>> -> memref<100000x64xf32, #tpu.memory_space<hbm>>
    tpu.enqueue_indirect_dma source(%dma_start3A_25 : memref<100000x64xf32, #tpu.memory_space<hbm>>) target(%dma_start3A_19 : memref<96x64xf32, #tpu.memory_space<vmem>>) offsets(%dma_start3A_22 : memref<96xi32, #tpu.memory_space<vmem>>) semaphore(%arg10 : memref<!tpu.dma_semaphore, #tpu.memory_space<semaphore_mem>>)
    %dma_start3A_26 = arith.constant 1 : i32
    %dma_start3A_27 = arith.constant 1 : i32
    %dma_start3A_28 = arith.constant 0 : i32
    %dma_start3A_29 = arith.constant 0 : i32
    %dma_start3A_30 = tpu.memref_slice %arg8[%dma_start3A_27, %dma_start3A_28, %dma_start3A_29] : memref<2x200x64xf32, #tpu.memory_space<vmem>> -> memref<1x104x64xf32, #tpu.memory_space<vmem>>
    %dma_start3A_31 = tpu.memref_squeeze %dma_start3A_30 : memref<1x104x64xf32, #tpu.memory_space<vmem>> -> memref<104x64xf32, #tpu.memory_space<vmem>>
    %dma_start3A_32 = arith.constant 0 : i32
    %dma_start3A_33 = tpu.memref_slice %arg6[%dma_start3A_26, %dma_start3A_32] : memref<128x200xi32, #tpu.memory_space<vmem>> -> memref<1x104xi32, #tpu.memory_space<vmem>>
    %dma_start3A_34 = tpu.memref_squeeze %dma_start3A_33 : memref<1x104xi32, #tpu.memory_space<vmem>> -> memref<104xi32, #tpu.memory_space<vmem>>
    %dma_start3A_35 = arith.constant 0 : i32
    %dma_start3A_36 = arith.constant 0 : i32
    %dma_start3A_37 = tpu.memref_slice %arg2[%dma_start3A_35, %dma_start3A_36] : memref<100000x64xf32, #tpu.memory_space<hbm>> -> memref<100000x64xf32, #tpu.memory_space<hbm>>
    tpu.enqueue_indirect_dma source(%dma_start3A_37 : memref<100000x64xf32, #tpu.memory_space<hbm>>) target(%dma_start3A_31 : memref<104x64xf32, #tpu.memory_space<vmem>>) offsets(%dma_start3A_34 : memref<104xi32, #tpu.memory_space<vmem>>) semaphore(%arg11 : memref<!tpu.dma_semaphore, #tpu.memory_space<semaphore_mem>>)
    %dma_start3A_38 = arith.constant 1 : i32
    %dma_start3A_39 = arith.constant 1 : i32
    %dma_start3A_40 = arith.constant 104 : i32
    %dma_start3A_41 = arith.constant 0 : i32
    %dma_start3A_42 = tpu.memref_slice %arg8[%dma_start3A_39, %dma_start3A_40, %dma_start3A_41] : memref<2x200x64xf32, #tpu.memory_space<vmem>> -> memref<1x96x64xf32, #tpu.memory_space<vmem>>
    %dma_start3A_43 = tpu.memref_squeeze %dma_start3A_42 : memref<1x96x64xf32, #tpu.memory_space<vmem>> -> memref<96x64xf32, #tpu.memory_space<vmem>>
    %dma_start3A_44 = arith.constant 104 : i32
    %dma_start3A_45 = tpu.memref_slice %arg6[%dma_start3A_38, %dma_start3A_44] : memref<128x200xi32, #tpu.memory_space<vmem>> -> memref<1x96xi32, #tpu.memory_space<vmem>>
    %dma_start3A_46 = tpu.memref_squeeze %dma_start3A_45 : memref<1x96xi32, #tpu.memory_space<vmem>> -> memref<96xi32, #tpu.memory_space<vmem>>
    %dma_start3A_47 = arith.constant 0 : i32
    %dma_start3A_48 = arith.constant 0 : i32
    %dma_start3A_49 = tpu.memref_slice %arg2[%dma_start3A_47, %dma_start3A_48] : memref<100000x64xf32, #tpu.memory_space<hbm>> -> memref<100000x64xf32, #tpu.memory_space<hbm>>
    tpu.enqueue_indirect_dma source(%dma_start3A_49 : memref<100000x64xf32, #tpu.memory_space<hbm>>) target(%dma_start3A_43 : memref<96x64xf32, #tpu.memory_space<vmem>>) offsets(%dma_start3A_46 : memref<96xi32, #tpu.memory_space<vmem>>) semaphore(%arg11 : memref<!tpu.dma_semaphore, #tpu.memory_space<semaphore_mem>>)
    %dma_wait3A = arith.constant 0 : i32
    %dma_wait3A_50 = arith.constant 0 : i32
    %dma_wait3A_51 = arith.constant 0 : i32
    %dma_wait3A_52 = arith.constant 0 : i32
    %dma_wait3A_53 = tpu.memref_slice %arg8[%dma_wait3A_50, %dma_wait3A_51, %dma_wait3A_52] : memref<2x200x64xf32, #tpu.memory_space<vmem>> -> memref<1x104x64xf32, #tpu.memory_space<vmem>>
    %dma_wait3A_54 = tpu.memref_squeeze %dma_wait3A_53 : memref<1x104x64xf32, #tpu.memory_space<vmem>> -> memref<104x64xf32, #tpu.memory_space<vmem>>
    %dma_wait3A_55 = arith.constant 0 : i32
    %dma_wait3A_56 = tpu.memref_slice %arg6[%dma_wait3A, %dma_wait3A_55] : memref<128x200xi32, #tpu.memory_space<vmem>> -> memref<1x104xi32, #tpu.memory_space<vmem>>
    %dma_wait3A_57 = tpu.memref_squeeze %dma_wait3A_56 : memref<1x104xi32, #tpu.memory_space<vmem>> -> memref<104xi32, #tpu.memory_space<vmem>>
    %dma_wait3A_58 = arith.constant 0 : i32
    %dma_wait3A_59 = arith.constant 0 : i32
    %dma_wait3A_60 = tpu.memref_slice %arg2[%dma_wait3A_58, %dma_wait3A_59] : memref<100000x64xf32, #tpu.memory_space<hbm>> -> memref<100000x64xf32, #tpu.memory_space<hbm>>
    tpu.wait_indirect_dma semaphore(%arg10 : memref<!tpu.dma_semaphore, #tpu.memory_space<semaphore_mem>>) src(%dma_wait3A_60 : memref<100000x64xf32, #tpu.memory_space<hbm>>) dst(%dma_wait3A_54 : memref<104x64xf32, #tpu.memory_space<vmem>>)
    %dma_wait3A_61 = arith.constant 0 : i32
    %dma_wait3A_62 = arith.constant 0 : i32
    %dma_wait3A_63 = arith.constant 104 : i32
    %dma_wait3A_64 = arith.constant 0 : i32
    %dma_wait3A_65 = tpu.memref_slice %arg8[%dma_wait3A_62, %dma_wait3A_63, %dma_wait3A_64] : memref<2x200x64xf32, #tpu.memory_space<vmem>> -> memref<1x96x64xf32, #tpu.memory_space<vmem>>
    %dma_wait3A_66 = tpu.memref_squeeze %dma_wait3A_65 : memref<1x96x64xf32, #tpu.memory_space<vmem>> -> memref<96x64xf32, #tpu.memory_space<vmem>>
    %dma_wait3A_67 = arith.constant 104 : i32
    %dma_wait3A_68 = tpu.memref_slice %arg6[%dma_wait3A_61, %dma_wait3A_67] : memref<128x200xi32, #tpu.memory_space<vmem>> -> memref<1x96xi32, #tpu.memory_space<vmem>>
    %dma_wait3A_69 = tpu.memref_squeeze %dma_wait3A_68 : memref<1x96xi32, #tpu.memory_space<vmem>> -> memref<96xi32, #tpu.memory_space<vmem>>
    %dma_wait3A_70 = arith.constant 0 : i32
    %dma_wait3A_71 = arith.constant 0 : i32
    %dma_wait3A_72 = tpu.memref_slice %arg2[%dma_wait3A_70, %dma_wait3A_71] : memref<100000x64xf32, #tpu.memory_space<hbm>> -> memref<100000x64xf32, #tpu.memory_space<hbm>>
    tpu.wait_indirect_dma semaphore(%arg10 : memref<!tpu.dma_semaphore, #tpu.memory_space<semaphore_mem>>) src(%dma_wait3A_72 : memref<100000x64xf32, #tpu.memory_space<hbm>>) dst(%dma_wait3A_66 : memref<96x64xf32, #tpu.memory_space<vmem>>)
    %parallel_loop3A = arith.constant 0 : i32
    %parallel_loop3A_73 = arith.constant 200 : i32
    %parallel_loop3A_74 = arith.constant 1 : i32
    scf.for %parallel_loop3A_377 = %parallel_loop3A to %parallel_loop3A_73 step %parallel_loop3A_74  : i32 {
      %parallel_loop3A_378 = arith.constant 0 : i32
      %parallel_loop3A_379 = arith.index_cast %parallel_loop3A_378 : i32 to index
      %parallel_loop3A_380 = arith.index_cast %parallel_loop3A_377 : i32 to index
      %parallel_loop3A_381 = arith.constant 0 : index
      %parallel_loop3A_382 = tpu.vector_load %arg8[%parallel_loop3A_379, %parallel_loop3A_380, %parallel_loop3A_381] {strides = array<i32>} : memref<2x200x64xf32, #tpu.memory_space<vmem>>, vector<1x1x16xf32>,
      %parallel_loop3A_383 = vector.shape_cast %parallel_loop3A_382 : vector<1x1x16xf32> to vector<16xf32>
      %parallel_loop3A_384 = arith.index_cast %parallel_loop3A_377 : i32 to index
      %parallel_loop3A_385 = arith.constant 0 : index
      %parallel_loop3A_386 = tpu.vector_load %arg7[%parallel_loop3A_384, %parallel_loop3A_385] {strides = array<i32>} : memref<200x64xf32, #tpu.memory_space<vmem>>, vector<1x16xf32>,
      %parallel_loop3A_387 = vector.shape_cast %parallel_loop3A_386 : vector<1x16xf32> to vector<16xf32>
      %parallel_loop3A_388 = arith.addf %parallel_loop3A_383, %parallel_loop3A_387 : vector<16xf32>
      %parallel_loop3A_389 = arith.constant 0 : i32
      %parallel_loop3A_390 = arith.index_cast %parallel_loop3A_389 : i32 to index
      %parallel_loop3A_391 = arith.index_cast %parallel_loop3A_377 : i32 to index
      %parallel_loop3A_392 = arith.constant 0 : index
      %parallel_loop3A_393 = tpu.vector_load %arg9[%parallel_loop3A_390, %parallel_loop3A_391, %parallel_loop3A_392] {strides = array<i32>} : memref<2x200x64xf32, #tpu.memory_space<vmem>>, vector<1x1x16xf32>,
      %parallel_loop3A_394 = vector.shape_cast %parallel_loop3A_393 : vector<1x1x16xf32> to vector<16xf32>
      %parallel_loop3A_395 = vector.shape_cast %parallel_loop3A_388 : vector<16xf32> to vector<1x1x16xf32>
      tpu.vector_store %arg9[%parallel_loop3A_390, %parallel_loop3A_391, %parallel_loop3A_392], %parallel_loop3A_395 {strides = array<i32>} : memref<2x200x64xf32, #tpu.memory_space<vmem>>, vector<1x1x16xf32>,
      %parallel_loop3A_396 = arith.constant 0 : i32
      %parallel_loop3A_397 = arith.index_cast %parallel_loop3A_396 : i32 to index
      %parallel_loop3A_398 = arith.index_cast %parallel_loop3A_377 : i32 to index
      %parallel_loop3A_399 = arith.constant 16 : index
      %parallel_loop3A_400 = tpu.vector_load %arg8[%parallel_loop3A_397, %parallel_loop3A_398, %parallel_loop3A_399] {strides = array<i32>} : memref<2x200x64xf32, #tpu.memory_space<vmem>>, vector<1x1x16xf32>,
      %parallel_loop3A_401 = vector.shape_cast %parallel_loop3A_400 : vector<1x1x16xf32> to vector<16xf32>
      %parallel_loop3A_402 = arith.index_cast %parallel_loop3A_377 : i32 to index
      %parallel_loop3A_403 = arith.constant 16 : index
      %parallel_loop3A_404 = tpu.vector_load %arg7[%parallel_loop3A_402, %parallel_loop3A_403] {strides = array<i32>} : memref<200x64xf32, #tpu.memory_space<vmem>>, vector<1x16xf32>,
      %parallel_loop3A_405 = vector.shape_cast %parallel_loop3A_404 : vector<1x16xf32> to vector<16xf32>
      %parallel_loop3A_406 = arith.addf %parallel_loop3A_401, %parallel_loop3A_405 : vector<16xf32>
      %parallel_loop3A_407 = arith.constant 0 : i32
      %parallel_loop3A_408 = arith.index_cast %parallel_loop3A_407 : i32 to index
      %parallel_loop3A_409 = arith.index_cast %parallel_loop3A_377 : i32 to index
      %parallel_loop3A_410 = arith.constant 16 : index
      %parallel_loop3A_411 = tpu.vector_load %arg9[%parallel_loop3A_408, %parallel_loop3A_409, %parallel_loop3A_410] {strides = array<i32>} : memref<2x200x64xf32, #tpu.memory_space<vmem>>, vector<1x1x16xf32>,
      %parallel_loop3A_412 = vector.shape_cast %parallel_loop3A_411 : vector<1x1x16xf32> to vector<16xf32>
      %parallel_loop3A_413 = vector.shape_cast %parallel_loop3A_406 : vector<16xf32> to vector<1x1x16xf32>
      tpu.vector_store %arg9[%parallel_loop3A_408, %parallel_loop3A_409, %parallel_loop3A_410], %parallel_loop3A_413 {strides = array<i32>} : memref<2x200x64xf32, #tpu.memory_space<vmem>>, vector<1x1x16xf32>,
      %parallel_loop3A_414 = arith.constant 0 : i32
      %parallel_loop3A_415 = arith.index_cast %parallel_loop3A_414 : i32 to index
      %parallel_loop3A_416 = arith.index_cast %parallel_loop3A_377 : i32 to index
      %parallel_loop3A_417 = arith.constant 32 : index
      %parallel_loop3A_418 = tpu.vector_load %arg8[%parallel_loop3A_415, %parallel_loop3A_416, %parallel_loop3A_417] {strides = array<i32>} : memref<2x200x64xf32, #tpu.memory_space<vmem>>, vector<1x1x16xf32>,
      %parallel_loop3A_419 = vector.shape_cast %parallel_loop3A_418 : vector<1x1x16xf32> to vector<16xf32>
      %parallel_loop3A_420 = arith.index_cast %parallel_loop3A_377 : i32 to index
      %parallel_loop3A_421 = arith.constant 32 : index
      %parallel_loop3A_422 = tpu.vector_load %arg7[%parallel_loop3A_420, %parallel_loop3A_421] {strides = array<i32>} : memref<200x64xf32, #tpu.memory_space<vmem>>, vector<1x16xf32>,
      %parallel_loop3A_423 = vector.shape_cast %parallel_loop3A_422 : vector<1x16xf32> to vector<16xf32>
      %parallel_loop3A_424 = arith.addf %parallel_loop3A_419, %parallel_loop3A_423 : vector<16xf32>
      %parallel_loop3A_425 = arith.constant 0 : i32
      %parallel_loop3A_426 = arith.index_cast %parallel_loop3A_425 : i32 to index
      %parallel_loop3A_427 = arith.index_cast %parallel_loop3A_377 : i32 to index
      %parallel_loop3A_428 = arith.constant 32 : index
      %parallel_loop3A_429 = tpu.vector_load %arg9[%parallel_loop3A_426, %parallel_loop3A_427, %parallel_loop3A_428] {strides = array<i32>} : memref<2x200x64xf32, #tpu.memory_space<vmem>>, vector<1x1x16xf32>,
      %parallel_loop3A_430 = vector.shape_cast %parallel_loop3A_429 : vector<1x1x16xf32> to vector<16xf32>
      %parallel_loop3A_431 = vector.shape_cast %parallel_loop3A_424 : vector<16xf32> to vector<1x1x16xf32>
      tpu.vector_store %arg9[%parallel_loop3A_426, %parallel_loop3A_427, %parallel_loop3A_428], %parallel_loop3A_431 {strides = array<i32>} : memref<2x200x64xf32, #tpu.memory_space<vmem>>, vector<1x1x16xf32>,
      %parallel_loop3A_432 = arith.constant 0 : i32
      %parallel_loop3A_433 = arith.index_cast %parallel_loop3A_432 : i32 to index
      %parallel_loop3A_434 = arith.index_cast %parallel_loop3A_377 : i32 to index
      %parallel_loop3A_435 = arith.constant 48 : index
      %parallel_loop3A_436 = tpu.vector_load %arg8[%parallel_loop3A_433, %parallel_loop3A_434, %parallel_loop3A_435] {strides = array<i32>} : memref<2x200x64xf32, #tpu.memory_space<vmem>>, vector<1x1x16xf32>,
      %parallel_loop3A_437 = vector.shape_cast %parallel_loop3A_436 : vector<1x1x16xf32> to vector<16xf32>
      %parallel_loop3A_438 = arith.index_cast %parallel_loop3A_377 : i32 to index
      %parallel_loop3A_439 = arith.constant 48 : index
      %parallel_loop3A_440 = tpu.vector_load %arg7[%parallel_loop3A_438, %parallel_loop3A_439] {strides = array<i32>} : memref<200x64xf32, #tpu.memory_space<vmem>>, vector<1x16xf32>,
      %parallel_loop3A_441 = vector.shape_cast %parallel_loop3A_440 : vector<1x16xf32> to vector<16xf32>
      %parallel_loop3A_442 = arith.addf %parallel_loop3A_437, %parallel_loop3A_441 : vector<16xf32>
      %parallel_loop3A_443 = arith.constant 0 : i32
      %parallel_loop3A_444 = arith.index_cast %parallel_loop3A_443 : i32 to index
      %parallel_loop3A_445 = arith.index_cast %parallel_loop3A_377 : i32 to index
      %parallel_loop3A_446 = arith.constant 48 : index
      %parallel_loop3A_447 = tpu.vector_load %arg9[%parallel_loop3A_444, %parallel_loop3A_445, %parallel_loop3A_446] {strides = array<i32>} : memref<2x200x64xf32, #tpu.memory_space<vmem>>, vector<1x1x16xf32>,
      %parallel_loop3A_448 = vector.shape_cast %parallel_loop3A_447 : vector<1x1x16xf32> to vector<16xf32>
      %parallel_loop3A_449 = vector.shape_cast %parallel_loop3A_442 : vector<16xf32> to vector<1x1x16xf32>
      tpu.vector_store %arg9[%parallel_loop3A_444, %parallel_loop3A_445, %parallel_loop3A_446], %parallel_loop3A_449 {strides = array<i32>} : memref<2x200x64xf32, #tpu.memory_space<vmem>>, vector<1x1x16xf32>,
    } {sc.loop_unroll_factor = 4 : i64, sc.parallel_access}
    %mul3A_75 = arith.constant 128 : i32
    %mul3A_76 = arith.muli %add3A, %mul3A_75 : i32
    %add3A_77 = arith.constant 0 : i32
    %add3A_78 = arith.addi %mul3A_76, %add3A_77 : i32
    %dma_start3A_79 = arith.constant 0 : i32
    %dma_start3A_80 = arith.constant 0 : i32
    %dma_start3A_81 = arith.constant 0 : i32
    %dma_start3A_82 = tpu.memref_slice %arg9[%dma_start3A_79, %dma_start3A_80, %dma_start3A_81] : memref<2x200x64xf32, #tpu.memory_space<vmem>> -> memref<1x200x64xf32, #tpu.memory_space<vmem>>
    %dma_start3A_83 = tpu.memref_squeeze %dma_start3A_82 : memref<1x200x64xf32, #tpu.memory_space<vmem>> -> memref<200x64xf32, #tpu.memory_space<vmem>>
    %dma_start3A_84 = arith.constant 0 : i32
    %dma_start3A_85 = arith.constant 0 : i32
    %dma_start3A_86 = tpu.memref_slice %arg5[%add3A_78, %dma_start3A_84, %dma_start3A_85] : memref<4096x200x128xf32, #tpu.memory_space<hbm>> -> memref<1x200x64xf32, #tpu.memory_space<hbm>>
    %dma_start3A_87 = tpu.memref_squeeze %dma_start3A_86 : memref<1x200x64xf32, #tpu.memory_space<hbm>> -> memref<200x64xf32, #tpu.memory_space<hbm>>
    %dma_start3A_88 = arith.constant 0 : i32
    %dma_start3A_89 = arith.constant 0 : i32
    %dma_start3A_90 = tpu.memref_slice %arg5[%add3A_78, %dma_start3A_88, %dma_start3A_89] : memref<4096x200x128xf32, #tpu.memory_space<hbm>> -> memref<1x200x64xf32, #tpu.memory_space<hbm>>
    %dma_start3A_91 = tpu.memref_squeeze %dma_start3A_90 : memref<1x200x64xf32, #tpu.memory_space<hbm>> -> memref<200x64xf32, #tpu.memory_space<hbm>>
    %dma_start3A_92 = arith.constant 0 : i32
    %dma_start3A_93 = arith.constant 0 : i32
    %dma_start3A_94 = tpu.memref_slice %arg9[%dma_start3A_79, %dma_start3A_92, %dma_start3A_93] : memref<2x200x64xf32, #tpu.memory_space<vmem>> -> memref<1x200x64xf32, #tpu.memory_space<vmem>>
    %dma_start3A_95 = tpu.memref_squeeze %dma_start3A_94 : memref<1x200x64xf32, #tpu.memory_space<vmem>> -> memref<200x64xf32, #tpu.memory_space<vmem>>
    tpu.enqueue_dma source(%dma_start3A_95 : memref<200x64xf32, #tpu.memory_space<vmem>>) target(%dma_start3A_91 : memref<200x64xf32, #tpu.memory_space<hbm>>) target_semaphore(%arg12 : memref<!tpu.dma_semaphore, #tpu.memory_space<semaphore_mem>>)
    %dma_start3A_96 = arith.constant 2 : i32
    %dma_start3A_97 = arith.constant 0 : i32
    %dma_start3A_98 = arith.constant 0 : i32
    %dma_start3A_99 = arith.constant 0 : i32
    %dma_start3A_100 = tpu.memref_slice %arg8[%dma_start3A_97, %dma_start3A_98, %dma_start3A_99] : memref<2x200x64xf32, #tpu.memory_space<vmem>> -> memref<1x104x64xf32, #tpu.memory_space<vmem>>
    %dma_start3A_101 = tpu.memref_squeeze %dma_start3A_100 : memref<1x104x64xf32, #tpu.memory_space<vmem>> -> memref<104x64xf32, #tpu.memory_space<vmem>>
    %dma_start3A_102 = arith.constant 0 : i32
    %dma_start3A_103 = tpu.memref_slice %arg6[%dma_start3A_96, %dma_start3A_102] : memref<128x200xi32, #tpu.memory_space<vmem>> -> memref<1x104xi32, #tpu.memory_space<vmem>>
    %dma_start3A_104 = tpu.memref_squeeze %dma_start3A_103 : memref<1x104xi32, #tpu.memory_space<vmem>> -> memref<104xi32, #tpu.memory_space<vmem>>
    %dma_start3A_105 = arith.constant 0 : i32
    %dma_start3A_106 = arith.constant 0 : i32
    %dma_start3A_107 = tpu.memref_slice %arg2[%dma_start3A_105, %dma_start3A_106] : memref<100000x64xf32, #tpu.memory_space<hbm>> -> memref<100000x64xf32, #tpu.memory_space<hbm>>
    tpu.enqueue_indirect_dma source(%dma_start3A_107 : memref<100000x64xf32, #tpu.memory_space<hbm>>) target(%dma_start3A_101 : memref<104x64xf32, #tpu.memory_space<vmem>>) offsets(%dma_start3A_104 : memref<104xi32, #tpu.memory_space<vmem>>) semaphore(%arg10 : memref<!tpu.dma_semaphore, #tpu.memory_space<semaphore_mem>>)
    %dma_start3A_108 = arith.constant 2 : i32
    %dma_start3A_109 = arith.constant 0 : i32
    %dma_start3A_110 = arith.constant 104 : i32
    %dma_start3A_111 = arith.constant 0 : i32
    %dma_start3A_112 = tpu.memref_slice %arg8[%dma_start3A_109, %dma_start3A_110, %dma_start3A_111] : memref<2x200x64xf32, #tpu.memory_space<vmem>> -> memref<1x96x64xf32, #tpu.memory_space<vmem>>
    %dma_start3A_113 = tpu.memref_squeeze %dma_start3A_112 : memref<1x96x64xf32, #tpu.memory_space<vmem>> -> memref<96x64xf32, #tpu.memory_space<vmem>>
    %dma_start3A_114 = arith.constant 104 : i32
    %dma_start3A_115 = tpu.memref_slice %arg6[%dma_start3A_108, %dma_start3A_114] : memref<128x200xi32, #tpu.memory_space<vmem>> -> memref<1x96xi32, #tpu.memory_space<vmem>>
    %dma_start3A_116 = tpu.memref_squeeze %dma_start3A_115 : memref<1x96xi32, #tpu.memory_space<vmem>> -> memref<96xi32, #tpu.memory_space<vmem>>
    %dma_start3A_117 = arith.constant 0 : i32
    %dma_start3A_118 = arith.constant 0 : i32
    %dma_start3A_119 = tpu.memref_slice %arg2[%dma_start3A_117, %dma_start3A_118] : memref<100000x64xf32, #tpu.memory_space<hbm>> -> memref<100000x64xf32, #tpu.memory_space<hbm>>
    tpu.enqueue_indirect_dma source(%dma_start3A_119 : memref<100000x64xf32, #tpu.memory_space<hbm>>) target(%dma_start3A_113 : memref<96x64xf32, #tpu.memory_space<vmem>>) offsets(%dma_start3A_116 : memref<96xi32, #tpu.memory_space<vmem>>) semaphore(%arg10 : memref<!tpu.dma_semaphore, #tpu.memory_space<semaphore_mem>>)
    %dma_wait3A_120 = arith.constant 1 : i32
    %dma_wait3A_121 = arith.constant 1 : i32
    %dma_wait3A_122 = arith.constant 0 : i32
    %dma_wait3A_123 = arith.constant 0 : i32
    %dma_wait3A_124 = tpu.memref_slice %arg8[%dma_wait3A_121, %dma_wait3A_122, %dma_wait3A_123] : memref<2x200x64xf32, #tpu.memory_space<vmem>> -> memref<1x104x64xf32, #tpu.memory_space<vmem>>
    %dma_wait3A_125 = tpu.memref_squeeze %dma_wait3A_124 : memref<1x104x64xf32, #tpu.memory_space<vmem>> -> memref<104x64xf32, #tpu.memory_space<vmem>>
    %dma_wait3A_126 = arith.constant 0 : i32
    %dma_wait3A_127 = tpu.memref_slice %arg6[%dma_wait3A_120, %dma_wait3A_126] : memref<128x200xi32, #tpu.memory_space<vmem>> -> memref<1x104xi32, #tpu.memory_space<vmem>>
    %dma_wait3A_128 = tpu.memref_squeeze %dma_wait3A_127 : memref<1x104xi32, #tpu.memory_space<vmem>> -> memref<104xi32, #tpu.memory_space<vmem>>
    %dma_wait3A_129 = arith.constant 0 : i32
    %dma_wait3A_130 = arith.constant 0 : i32
    %dma_wait3A_131 = tpu.memref_slice %arg2[%dma_wait3A_129, %dma_wait3A_130] : memref<100000x64xf32, #tpu.memory_space<hbm>> -> memref<100000x64xf32, #tpu.memory_space<hbm>>
    tpu.wait_indirect_dma semaphore(%arg11 : memref<!tpu.dma_semaphore, #tpu.memory_space<semaphore_mem>>) src(%dma_wait3A_131 : memref<100000x64xf32, #tpu.memory_space<hbm>>) dst(%dma_wait3A_125 : memref<104x64xf32, #tpu.memory_space<vmem>>)
    %dma_wait3A_132 = arith.constant 1 : i32
    %dma_wait3A_133 = arith.constant 1 : i32
    %dma_wait3A_134 = arith.constant 104 : i32
    %dma_wait3A_135 = arith.constant 0 : i32
    %dma_wait3A_136 = tpu.memref_slice %arg8[%dma_wait3A_133, %dma_wait3A_134, %dma_wait3A_135] : memref<2x200x64xf32, #tpu.memory_space<vmem>> -> memref<1x96x64xf32, #tpu.memory_space<vmem>>
    %dma_wait3A_137 = tpu.memref_squeeze %dma_wait3A_136 : memref<1x96x64xf32, #tpu.memory_space<vmem>> -> memref<96x64xf32, #tpu.memory_space<vmem>>
    %dma_wait3A_138 = arith.constant 104 : i32
    %dma_wait3A_139 = tpu.memref_slice %arg6[%dma_wait3A_132, %dma_wait3A_138] : memref<128x200xi32, #tpu.memory_space<vmem>> -> memref<1x96xi32, #tpu.memory_space<vmem>>
    %dma_wait3A_140 = tpu.memref_squeeze %dma_wait3A_139 : memref<1x96xi32, #tpu.memory_space<vmem>> -> memref<96xi32, #tpu.memory_space<vmem>>
    %dma_wait3A_141 = arith.constant 0 : i32
    %dma_wait3A_142 = arith.constant 0 : i32
    %dma_wait3A_143 = tpu.memref_slice %arg2[%dma_wait3A_141, %dma_wait3A_142] : memref<100000x64xf32, #tpu.memory_space<hbm>> -> memref<100000x64xf32, #tpu.memory_space<hbm>>
    tpu.wait_indirect_dma semaphore(%arg11 : memref<!tpu.dma_semaphore, #tpu.memory_space<semaphore_mem>>) src(%dma_wait3A_143 : memref<100000x64xf32, #tpu.memory_space<hbm>>) dst(%dma_wait3A_137 : memref<96x64xf32, #tpu.memory_space<vmem>>)
    %parallel_loop3A_144 = arith.constant 0 : i32
    %parallel_loop3A_145 = arith.constant 200 : i32
    %parallel_loop3A_146 = arith.constant 1 : i32
    scf.for %parallel_loop3A_377 = %parallel_loop3A_144 to %parallel_loop3A_145 step %parallel_loop3A_146  : i32 {
      %parallel_loop3A_378 = arith.constant 1 : i32
      %parallel_loop3A_379 = arith.index_cast %parallel_loop3A_378 : i32 to index
      %parallel_loop3A_380 = arith.index_cast %parallel_loop3A_377 : i32 to index
      %parallel_loop3A_381 = arith.constant 0 : index
      %parallel_loop3A_382 = tpu.vector_load %arg8[%parallel_loop3A_379, %parallel_loop3A_380, %parallel_loop3A_381] {strides = array<i32>} : memref<2x200x64xf32, #tpu.memory_space<vmem>>, vector<1x1x16xf32>,
      %parallel_loop3A_383 = vector.shape_cast %parallel_loop3A_382 : vector<1x1x16xf32> to vector<16xf32>
      %parallel_loop3A_384 = arith.index_cast %parallel_loop3A_377 : i32 to index
      %parallel_loop3A_385 = arith.constant 0 : index
      %parallel_loop3A_386 = tpu.vector_load %arg7[%parallel_loop3A_384, %parallel_loop3A_385] {strides = array<i32>} : memref<200x64xf32, #tpu.memory_space<vmem>>, vector<1x16xf32>,
      %parallel_loop3A_387 = vector.shape_cast %parallel_loop3A_386 : vector<1x16xf32> to vector<16xf32>
      %parallel_loop3A_388 = arith.addf %parallel_loop3A_383, %parallel_loop3A_387 : vector<16xf32>
      %parallel_loop3A_389 = arith.constant 1 : i32
      %parallel_loop3A_390 = arith.index_cast %parallel_loop3A_389 : i32 to index
      %parallel_loop3A_391 = arith.index_cast %parallel_loop3A_377 : i32 to index
      %parallel_loop3A_392 = arith.constant 0 : index
      %parallel_loop3A_393 = tpu.vector_load %arg9[%parallel_loop3A_390, %parallel_loop3A_391, %parallel_loop3A_392] {strides = array<i32>} : memref<2x200x64xf32, #tpu.memory_space<vmem>>, vector<1x1x16xf32>,
      %parallel_loop3A_394 = vector.shape_cast %parallel_loop3A_393 : vector<1x1x16xf32> to vector<16xf32>
      %parallel_loop3A_395 = vector.shape_cast %parallel_loop3A_388 : vector<16xf32> to vector<1x1x16xf32>
      tpu.vector_store %arg9[%parallel_loop3A_390, %parallel_loop3A_391, %parallel_loop3A_392], %parallel_loop3A_395 {strides = array<i32>} : memref<2x200x64xf32, #tpu.memory_space<vmem>>, vector<1x1x16xf32>,
      %parallel_loop3A_396 = arith.constant 1 : i32
      %parallel_loop3A_397 = arith.index_cast %parallel_loop3A_396 : i32 to index
      %parallel_loop3A_398 = arith.index_cast %parallel_loop3A_377 : i32 to index
      %parallel_loop3A_399 = arith.constant 16 : index
      %parallel_loop3A_400 = tpu.vector_load %arg8[%parallel_loop3A_397, %parallel_loop3A_398, %parallel_loop3A_399] {strides = array<i32>} : memref<2x200x64xf32, #tpu.memory_space<vmem>>, vector<1x1x16xf32>,
      %parallel_loop3A_401 = vector.shape_cast %parallel_loop3A_400 : vector<1x1x16xf32> to vector<16xf32>
      %parallel_loop3A_402 = arith.index_cast %parallel_loop3A_377 : i32 to index
      %parallel_loop3A_403 = arith.constant 16 : index
      %parallel_loop3A_404 = tpu.vector_load %arg7[%parallel_loop3A_402, %parallel_loop3A_403] {strides = array<i32>} : memref<200x64xf32, #tpu.memory_space<vmem>>, vector<1x16xf32>,
      %parallel_loop3A_405 = vector.shape_cast %parallel_loop3A_404 : vector<1x16xf32> to vector<16xf32>
      %parallel_loop3A_406 = arith.addf %parallel_loop3A_401, %parallel_loop3A_405 : vector<16xf32>
      %parallel_loop3A_407 = arith.constant 1 : i32
      %parallel_loop3A_408 = arith.index_cast %parallel_loop3A_407 : i32 to index
      %parallel_loop3A_409 = arith.index_cast %parallel_loop3A_377 : i32 to index
      %parallel_loop3A_410 = arith.constant 16 : index
      %parallel_loop3A_411 = tpu.vector_load %arg9[%parallel_loop3A_408, %parallel_loop3A_409, %parallel_loop3A_410] {strides = array<i32>} : memref<2x200x64xf32, #tpu.memory_space<vmem>>, vector<1x1x16xf32>,
      %parallel_loop3A_412 = vector.shape_cast %parallel_loop3A_411 : vector<1x1x16xf32> to vector<16xf32>
      %parallel_loop3A_413 = vector.shape_cast %parallel_loop3A_406 : vector<16xf32> to vector<1x1x16xf32>
      tpu.vector_store %arg9[%parallel_loop3A_408, %parallel_loop3A_409, %parallel_loop3A_410], %parallel_loop3A_413 {strides = array<i32>} : memref<2x200x64xf32, #tpu.memory_space<vmem>>, vector<1x1x16xf32>,
      %parallel_loop3A_414 = arith.constant 1 : i32
      %parallel_loop3A_415 = arith.index_cast %parallel_loop3A_414 : i32 to index
      %parallel_loop3A_416 = arith.index_cast %parallel_loop3A_377 : i32 to index
      %parallel_loop3A_417 = arith.constant 32 : index
      %parallel_loop3A_418 = tpu.vector_load %arg8[%parallel_loop3A_415, %parallel_loop3A_416, %parallel_loop3A_417] {strides = array<i32>} : memref<2x200x64xf32, #tpu.memory_space<vmem>>, vector<1x1x16xf32>,
      %parallel_loop3A_419 = vector.shape_cast %parallel_loop3A_418 : vector<1x1x16xf32> to vector<16xf32>
      %parallel_loop3A_420 = arith.index_cast %parallel_loop3A_377 : i32 to index
      %parallel_loop3A_421 = arith.constant 32 : index
      %parallel_loop3A_422 = tpu.vector_load %arg7[%parallel_loop3A_420, %parallel_loop3A_421] {strides = array<i32>} : memref<200x64xf32, #tpu.memory_space<vmem>>, vector<1x16xf32>,
      %parallel_loop3A_423 = vector.shape_cast %parallel_loop3A_422 : vector<1x16xf32> to vector<16xf32>
      %parallel_loop3A_424 = arith.addf %parallel_loop3A_419, %parallel_loop3A_423 : vector<16xf32>
      %parallel_loop3A_425 = arith.constant 1 : i32
      %parallel_loop3A_426 = arith.index_cast %parallel_loop3A_425 : i32 to index
      %parallel_loop3A_427 = arith.index_cast %parallel_loop3A_377 : i32 to index
      %parallel_loop3A_428 = arith.constant 32 : index
      %parallel_loop3A_429 = tpu.vector_load %arg9[%parallel_loop3A_426, %parallel_loop3A_427, %parallel_loop3A_428] {strides = array<i32>} : memref<2x200x64xf32, #tpu.memory_space<vmem>>, vector<1x1x16xf32>,
      %parallel_loop3A_430 = vector.shape_cast %parallel_loop3A_429 : vector<1x1x16xf32> to vector<16xf32>
      %parallel_loop3A_431 = vector.shape_cast %parallel_loop3A_424 : vector<16xf32> to vector<1x1x16xf32>
      tpu.vector_store %arg9[%parallel_loop3A_426, %parallel_loop3A_427, %parallel_loop3A_428], %parallel_loop3A_431 {strides = array<i32>} : memref<2x200x64xf32, #tpu.memory_space<vmem>>, vector<1x1x16xf32>,
      %parallel_loop3A_432 = arith.constant 1 : i32
      %parallel_loop3A_433 = arith.index_cast %parallel_loop3A_432 : i32 to index
      %parallel_loop3A_434 = arith.index_cast %parallel_loop3A_377 : i32 to index
      %parallel_loop3A_435 = arith.constant 48 : index
      %parallel_loop3A_436 = tpu.vector_load %arg8[%parallel_loop3A_433, %parallel_loop3A_434, %parallel_loop3A_435] {strides = array<i32>} : memref<2x200x64xf32, #tpu.memory_space<vmem>>, vector<1x1x16xf32>,
      %parallel_loop3A_437 = vector.shape_cast %parallel_loop3A_436 : vector<1x1x16xf32> to vector<16xf32>
      %parallel_loop3A_438 = arith.index_cast %parallel_loop3A_377 : i32 to index
      %parallel_loop3A_439 = arith.constant 48 : index
      %parallel_loop3A_440 = tpu.vector_load %arg7[%parallel_loop3A_438, %parallel_loop3A_439] {strides = array<i32>} : memref<200x64xf32, #tpu.memory_space<vmem>>, vector<1x16xf32>,
      %parallel_loop3A_441 = vector.shape_cast %parallel_loop3A_440 : vector<1x16xf32> to vector<16xf32>
      %parallel_loop3A_442 = arith.addf %parallel_loop3A_437, %parallel_loop3A_441 : vector<16xf32>
      %parallel_loop3A_443 = arith.constant 1 : i32
      %parallel_loop3A_444 = arith.index_cast %parallel_loop3A_443 : i32 to index
      %parallel_loop3A_445 = arith.index_cast %parallel_loop3A_377 : i32 to index
      %parallel_loop3A_446 = arith.constant 48 : index
      %parallel_loop3A_447 = tpu.vector_load %arg9[%parallel_loop3A_444, %parallel_loop3A_445, %parallel_loop3A_446] {strides = array<i32>} : memref<2x200x64xf32, #tpu.memory_space<vmem>>, vector<1x1x16xf32>,
      %parallel_loop3A_448 = vector.shape_cast %parallel_loop3A_447 : vector<1x1x16xf32> to vector<16xf32>
      %parallel_loop3A_449 = vector.shape_cast %parallel_loop3A_442 : vector<16xf32> to vector<1x1x16xf32>
      tpu.vector_store %arg9[%parallel_loop3A_444, %parallel_loop3A_445, %parallel_loop3A_446], %parallel_loop3A_449 {strides = array<i32>} : memref<2x200x64xf32, #tpu.memory_space<vmem>>, vector<1x1x16xf32>,
    } {sc.loop_unroll_factor = 4 : i64, sc.parallel_access}
    %mul3A_147 = arith.constant 128 : i32
    %mul3A_148 = arith.muli %add3A, %mul3A_147 : i32
    %add3A_149 = arith.constant 1 : i32
    %add3A_150 = arith.addi %mul3A_148, %add3A_149 : i32
    %dma_start3A_151 = arith.constant 1 : i32
    %dma_start3A_152 = arith.constant 0 : i32
    %dma_start3A_153 = arith.constant 0 : i32
    %dma_start3A_154 = tpu.memref_slice %arg9[%dma_start3A_151, %dma_start3A_152, %dma_start3A_153] : memref<2x200x64xf32, #tpu.memory_space<vmem>> -> memref<1x200x64xf32, #tpu.memory_space<vmem>>
    %dma_start3A_155 = tpu.memref_squeeze %dma_start3A_154 : memref<1x200x64xf32, #tpu.memory_space<vmem>> -> memref<200x64xf32, #tpu.memory_space<vmem>>
    %dma_start3A_156 = arith.constant 0 : i32
    %dma_start3A_157 = arith.constant 0 : i32
    %dma_start3A_158 = tpu.memref_slice %arg5[%add3A_150, %dma_start3A_156, %dma_start3A_157] : memref<4096x200x128xf32, #tpu.memory_space<hbm>> -> memref<1x200x64xf32, #tpu.memory_space<hbm>>
    %dma_start3A_159 = tpu.memref_squeeze %dma_start3A_158 : memref<1x200x64xf32, #tpu.memory_space<hbm>> -> memref<200x64xf32, #tpu.memory_space<hbm>>
    %dma_start3A_160 = arith.constant 0 : i32
    %dma_start3A_161 = arith.constant 0 : i32
    %dma_start3A_162 = tpu.memref_slice %arg5[%add3A_150, %dma_start3A_160, %dma_start3A_161] : memref<4096x200x128xf32, #tpu.memory_space<hbm>> -> memref<1x200x64xf32, #tpu.memory_space<hbm>>
    %dma_start3A_163 = tpu.memref_squeeze %dma_start3A_162 : memref<1x200x64xf32, #tpu.memory_space<hbm>> -> memref<200x64xf32, #tpu.memory_space<hbm>>
    %dma_start3A_164 = arith.constant 0 : i32
    %dma_start3A_165 = arith.constant 0 : i32
    %dma_start3A_166 = tpu.memref_slice %arg9[%dma_start3A_151, %dma_start3A_164, %dma_start3A_165] : memref<2x200x64xf32, #tpu.memory_space<vmem>> -> memref<1x200x64xf32, #tpu.memory_space<vmem>>
    %dma_start3A_167 = tpu.memref_squeeze %dma_start3A_166 : memref<1x200x64xf32, #tpu.memory_space<vmem>> -> memref<200x64xf32, #tpu.memory_space<vmem>>
    tpu.enqueue_dma source(%dma_start3A_167 : memref<200x64xf32, #tpu.memory_space<vmem>>) target(%dma_start3A_163 : memref<200x64xf32, #tpu.memory_space<hbm>>) target_semaphore(%arg13 : memref<!tpu.dma_semaphore, #tpu.memory_space<semaphore_mem>>)
    %dma_start3A_168 = arith.constant 3 : i32
    %dma_start3A_169 = arith.constant 1 : i32
    %dma_start3A_170 = arith.constant 0 : i32
    %dma_start3A_171 = arith.constant 0 : i32
    %dma_start3A_172 = tpu.memref_slice %arg8[%dma_start3A_169, %dma_start3A_170, %dma_start3A_171] : memref<2x200x64xf32, #tpu.memory_space<vmem>> -> memref<1x104x64xf32, #tpu.memory_space<vmem>>
    %dma_start3A_173 = tpu.memref_squeeze %dma_start3A_172 : memref<1x104x64xf32, #tpu.memory_space<vmem>> -> memref<104x64xf32, #tpu.memory_space<vmem>>
    %dma_start3A_174 = arith.constant 0 : i32
    %dma_start3A_175 = tpu.memref_slice %arg6[%dma_start3A_168, %dma_start3A_174] : memref<128x200xi32, #tpu.memory_space<vmem>> -> memref<1x104xi32, #tpu.memory_space<vmem>>
    %dma_start3A_176 = tpu.memref_squeeze %dma_start3A_175 : memref<1x104xi32, #tpu.memory_space<vmem>> -> memref<104xi32, #tpu.memory_space<vmem>>
    %dma_start3A_177 = arith.constant 0 : i32
    %dma_start3A_178 = arith.constant 0 : i32
    %dma_start3A_179 = tpu.memref_slice %arg2[%dma_start3A_177, %dma_start3A_178] : memref<100000x64xf32, #tpu.memory_space<hbm>> -> memref<100000x64xf32, #tpu.memory_space<hbm>>
    tpu.enqueue_indirect_dma source(%dma_start3A_179 : memref<100000x64xf32, #tpu.memory_space<hbm>>) target(%dma_start3A_173 : memref<104x64xf32, #tpu.memory_space<vmem>>) offsets(%dma_start3A_176 : memref<104xi32, #tpu.memory_space<vmem>>) semaphore(%arg11 : memref<!tpu.dma_semaphore, #tpu.memory_space<semaphore_mem>>)
    %dma_start3A_180 = arith.constant 3 : i32
    %dma_start3A_181 = arith.constant 1 : i32
    %dma_start3A_182 = arith.constant 104 : i32
    %dma_start3A_183 = arith.constant 0 : i32
    %dma_start3A_184 = tpu.memref_slice %arg8[%dma_start3A_181, %dma_start3A_182, %dma_start3A_183] : memref<2x200x64xf32, #tpu.memory_space<vmem>> -> memref<1x96x64xf32, #tpu.memory_space<vmem>>
    %dma_start3A_185 = tpu.memref_squeeze %dma_start3A_184 : memref<1x96x64xf32, #tpu.memory_space<vmem>> -> memref<96x64xf32, #tpu.memory_space<vmem>>
    %dma_start3A_186 = arith.constant 104 : i32
    %dma_start3A_187 = tpu.memref_slice %arg6[%dma_start3A_180, %dma_start3A_186] : memref<128x200xi32, #tpu.memory_space<vmem>> -> memref<1x96xi32, #tpu.memory_space<vmem>>
    %dma_start3A_188 = tpu.memref_squeeze %dma_start3A_187 : memref<1x96xi32, #tpu.memory_space<vmem>> -> memref<96xi32, #tpu.memory_space<vmem>>
    %dma_start3A_189 = arith.constant 0 : i32
    %dma_start3A_190 = arith.constant 0 : i32
    %dma_start3A_191 = tpu.memref_slice %arg2[%dma_start3A_189, %dma_start3A_190] : memref<100000x64xf32, #tpu.memory_space<hbm>> -> memref<100000x64xf32, #tpu.memory_space<hbm>>
    tpu.enqueue_indirect_dma source(%dma_start3A_191 : memref<100000x64xf32, #tpu.memory_space<hbm>>) target(%dma_start3A_185 : memref<96x64xf32, #tpu.memory_space<vmem>>) offsets(%dma_start3A_188 : memref<96xi32, #tpu.memory_space<vmem>>) semaphore(%arg11 : memref<!tpu.dma_semaphore, #tpu.memory_space<semaphore_mem>>)
    %scan3A = arith.constant 0 : i32
    %scan3A_192 = arith.constant 1 : i32
    %scan3A_193 = arith.constant 62 : i32
    %scan3A_194 = arith.addi %scan3A_192, %scan3A_193 : i32
    %scan3A_195 = arith.constant 1 : i32
    scf.for %scan3A_377 = %scan3A_192 to %scan3A_194 step %scan3A_195  : i32 {
      %mul3A_378 = arith.constant 2 : i32
      %mul3A_379 = arith.muli %scan3A_377, %mul3A_378 : i32
      %add3A_380 = arith.constant 0 : i32
      %add3A_381 = arith.addi %mul3A_379, %add3A_380 : i32
      %dma_wait3A_382 = arith.constant 0 : i32
      %dma_wait3A_383 = arith.constant 0 : i32
      %dma_wait3A_384 = arith.constant 0 : i32
      %dma_wait3A_385 = tpu.memref_slice %arg8[%dma_wait3A_382, %dma_wait3A_383, %dma_wait3A_384] : memref<2x200x64xf32, #tpu.memory_space<vmem>> -> memref<1x104x64xf32, #tpu.memory_space<vmem>>
      %dma_wait3A_386 = tpu.memref_squeeze %dma_wait3A_385 : memref<1x104x64xf32, #tpu.memory_space<vmem>> -> memref<104x64xf32, #tpu.memory_space<vmem>>
      %dma_wait3A_387 = arith.constant 0 : i32
      %dma_wait3A_388 = tpu.memref_slice %arg6[%add3A_381, %dma_wait3A_387] : memref<128x200xi32, #tpu.memory_space<vmem>> -> memref<1x104xi32, #tpu.memory_space<vmem>>
      %dma_wait3A_389 = tpu.memref_squeeze %dma_wait3A_388 : memref<1x104xi32, #tpu.memory_space<vmem>> -> memref<104xi32, #tpu.memory_space<vmem>>
      %dma_wait3A_390 = arith.constant 0 : i32
      %dma_wait3A_391 = arith.constant 0 : i32
      %dma_wait3A_392 = tpu.memref_slice %arg2[%dma_wait3A_390, %dma_wait3A_391] : memref<100000x64xf32, #tpu.memory_space<hbm>> -> memref<100000x64xf32, #tpu.memory_space<hbm>>
      tpu.wait_indirect_dma semaphore(%arg10 : memref<!tpu.dma_semaphore, #tpu.memory_space<semaphore_mem>>) src(%dma_wait3A_392 : memref<100000x64xf32, #tpu.memory_space<hbm>>) dst(%dma_wait3A_386 : memref<104x64xf32, #tpu.memory_space<vmem>>)
      %dma_wait3A_393 = arith.constant 0 : i32
      %dma_wait3A_394 = arith.constant 104 : i32
      %dma_wait3A_395 = arith.constant 0 : i32
      %dma_wait3A_396 = tpu.memref_slice %arg8[%dma_wait3A_393, %dma_wait3A_394, %dma_wait3A_395] : memref<2x200x64xf32, #tpu.memory_space<vmem>> -> memref<1x96x64xf32, #tpu.memory_space<vmem>>
      %dma_wait3A_397 = tpu.memref_squeeze %dma_wait3A_396 : memref<1x96x64xf32, #tpu.memory_space<vmem>> -> memref<96x64xf32, #tpu.memory_space<vmem>>
      %dma_wait3A_398 = arith.constant 104 : i32
      %dma_wait3A_399 = tpu.memref_slice %arg6[%add3A_381, %dma_wait3A_398] : memref<128x200xi32, #tpu.memory_space<vmem>> -> memref<1x96xi32, #tpu.memory_space<vmem>>
      %dma_wait3A_400 = tpu.memref_squeeze %dma_wait3A_399 : memref<1x96xi32, #tpu.memory_space<vmem>> -> memref<96xi32, #tpu.memory_space<vmem>>
      %dma_wait3A_401 = arith.constant 0 : i32
      %dma_wait3A_402 = arith.constant 0 : i32
      %dma_wait3A_403 = tpu.memref_slice %arg2[%dma_wait3A_401, %dma_wait3A_402] : memref<100000x64xf32, #tpu.memory_space<hbm>> -> memref<100000x64xf32, #tpu.memory_space<hbm>>
      tpu.wait_indirect_dma semaphore(%arg10 : memref<!tpu.dma_semaphore, #tpu.memory_space<semaphore_mem>>) src(%dma_wait3A_403 : memref<100000x64xf32, #tpu.memory_space<hbm>>) dst(%dma_wait3A_397 : memref<96x64xf32, #tpu.memory_space<vmem>>)
      %sub3A = arith.constant 2 : i32
      %sub3A_404 = arith.subi %add3A_381, %sub3A : i32
      %mul3A_405 = arith.constant 128 : i32
      %mul3A_406 = arith.muli %add3A, %mul3A_405 : i32
      %add3A_407 = arith.addi %mul3A_406, %sub3A_404 : i32
      %dma_wait3A_408 = arith.constant 0 : i32
      %dma_wait3A_409 = arith.constant 0 : i32
      %dma_wait3A_410 = arith.constant 0 : i32
      %dma_wait3A_411 = tpu.memref_slice %arg9[%dma_wait3A_408, %dma_wait3A_409, %dma_wait3A_410] : memref<2x200x64xf32, #tpu.memory_space<vmem>> -> memref<1x200x64xf32, #tpu.memory_space<vmem>>
      %dma_wait3A_412 = tpu.memref_squeeze %dma_wait3A_411 : memref<1x200x64xf32, #tpu.memory_space<vmem>> -> memref<200x64xf32, #tpu.memory_space<vmem>>
      %dma_wait3A_413 = arith.constant 0 : i32
      %dma_wait3A_414 = arith.constant 0 : i32
      %dma_wait3A_415 = tpu.memref_slice %arg5[%add3A_407, %dma_wait3A_413, %dma_wait3A_414] : memref<4096x200x128xf32, #tpu.memory_space<hbm>> -> memref<1x200x64xf32, #tpu.memory_space<hbm>>
      %dma_wait3A_416 = tpu.memref_squeeze %dma_wait3A_415 : memref<1x200x64xf32, #tpu.memory_space<hbm>> -> memref<200x64xf32, #tpu.memory_space<hbm>>
      %dma_wait3A_417 = arith.constant 0 : i32
      %dma_wait3A_418 = arith.constant 0 : i32
      %dma_wait3A_419 = tpu.memref_slice %arg5[%add3A_407, %dma_wait3A_417, %dma_wait3A_418] : memref<4096x200x128xf32, #tpu.memory_space<hbm>> -> memref<1x200x64xf32, #tpu.memory_space<hbm>>
      %dma_wait3A_420 = tpu.memref_squeeze %dma_wait3A_419 : memref<1x200x64xf32, #tpu.memory_space<hbm>> -> memref<200x64xf32, #tpu.memory_space<hbm>>
      %dma_wait3A_421 = arith.constant 0 : i32
      %dma_wait3A_422 = arith.constant 0 : i32
      %dma_wait3A_423 = tpu.memref_slice %arg9[%dma_wait3A_408, %dma_wait3A_421, %dma_wait3A_422] : memref<2x200x64xf32, #tpu.memory_space<vmem>> -> memref<1x200x64xf32, #tpu.memory_space<vmem>>
      %dma_wait3A_424 = tpu.memref_squeeze %dma_wait3A_423 : memref<1x200x64xf32, #tpu.memory_space<vmem>> -> memref<200x64xf32, #tpu.memory_space<vmem>>
      tpu.wait_dma2 semaphore(%arg12 : memref<!tpu.dma_semaphore, #tpu.memory_space<semaphore_mem>>) src(%dma_wait3A_424 : memref<200x64xf32, #tpu.memory_space<vmem>>) dst(%dma_wait3A_420 : memref<200x64xf32, #tpu.memory_space<hbm>>)
      %parallel_loop3A_425 = arith.constant 0 : i32
      %parallel_loop3A_426 = arith.constant 200 : i32
      %parallel_loop3A_427 = arith.constant 1 : i32
      scf.for %parallel_loop3A_567 = %parallel_loop3A_425 to %parallel_loop3A_426 step %parallel_loop3A_427  : i32 {
        %parallel_loop3A_568 = arith.constant 0 : i32
        %parallel_loop3A_569 = arith.index_cast %parallel_loop3A_568 : i32 to index
        %parallel_loop3A_570 = arith.index_cast %parallel_loop3A_567 : i32 to index
        %parallel_loop3A_571 = arith.constant 0 : index
        %parallel_loop3A_572 = tpu.vector_load %arg8[%parallel_loop3A_569, %parallel_loop3A_570, %parallel_loop3A_571] {strides = array<i32>} : memref<2x200x64xf32, #tpu.memory_space<vmem>>, vector<1x1x16xf32>,
        %parallel_loop3A_573 = vector.shape_cast %parallel_loop3A_572 : vector<1x1x16xf32> to vector<16xf32>
        %parallel_loop3A_574 = arith.index_cast %parallel_loop3A_567 : i32 to index
        %parallel_loop3A_575 = arith.constant 0 : index
        %parallel_loop3A_576 = tpu.vector_load %arg7[%parallel_loop3A_574, %parallel_loop3A_575] {strides = array<i32>} : memref<200x64xf32, #tpu.memory_space<vmem>>, vector<1x16xf32>,
        %parallel_loop3A_577 = vector.shape_cast %parallel_loop3A_576 : vector<1x16xf32> to vector<16xf32>
        %parallel_loop3A_578 = arith.addf %parallel_loop3A_573, %parallel_loop3A_577 : vector<16xf32>
        %parallel_loop3A_579 = arith.constant 0 : i32
        %parallel_loop3A_580 = arith.index_cast %parallel_loop3A_579 : i32 to index
        %parallel_loop3A_581 = arith.index_cast %parallel_loop3A_567 : i32 to index
        %parallel_loop3A_582 = arith.constant 0 : index
        %parallel_loop3A_583 = tpu.vector_load %arg9[%parallel_loop3A_580, %parallel_loop3A_581, %parallel_loop3A_582] {strides = array<i32>} : memref<2x200x64xf32, #tpu.memory_space<vmem>>, vector<1x1x16xf32>,
        %parallel_loop3A_584 = vector.shape_cast %parallel_loop3A_583 : vector<1x1x16xf32> to vector<16xf32>
        %parallel_loop3A_585 = vector.shape_cast %parallel_loop3A_578 : vector<16xf32> to vector<1x1x16xf32>
        tpu.vector_store %arg9[%parallel_loop3A_580, %parallel_loop3A_581, %parallel_loop3A_582], %parallel_loop3A_585 {strides = array<i32>} : memref<2x200x64xf32, #tpu.memory_space<vmem>>, vector<1x1x16xf32>,
        %parallel_loop3A_586 = arith.constant 0 : i32
        %parallel_loop3A_587 = arith.index_cast %parallel_loop3A_586 : i32 to index
        %parallel_loop3A_588 = arith.index_cast %parallel_loop3A_567 : i32 to index
        %parallel_loop3A_589 = arith.constant 16 : index
        %parallel_loop3A_590 = tpu.vector_load %arg8[%parallel_loop3A_587, %parallel_loop3A_588, %parallel_loop3A_589] {strides = array<i32>} : memref<2x200x64xf32, #tpu.memory_space<vmem>>, vector<1x1x16xf32>,
        %parallel_loop3A_591 = vector.shape_cast %parallel_loop3A_590 : vector<1x1x16xf32> to vector<16xf32>
        %parallel_loop3A_592 = arith.index_cast %parallel_loop3A_567 : i32 to index
        %parallel_loop3A_593 = arith.constant 16 : index
        %parallel_loop3A_594 = tpu.vector_load %arg7[%parallel_loop3A_592, %parallel_loop3A_593] {strides = array<i32>} : memref<200x64xf32, #tpu.memory_space<vmem>>, vector<1x16xf32>,
        %parallel_loop3A_595 = vector.shape_cast %parallel_loop3A_594 : vector<1x16xf32> to vector<16xf32>
        %parallel_loop3A_596 = arith.addf %parallel_loop3A_591, %parallel_loop3A_595 : vector<16xf32>
        %parallel_loop3A_597 = arith.constant 0 : i32
        %parallel_loop3A_598 = arith.index_cast %parallel_loop3A_597 : i32 to index
        %parallel_loop3A_599 = arith.index_cast %parallel_loop3A_567 : i32 to index
        %parallel_loop3A_600 = arith.constant 16 : index
        %parallel_loop3A_601 = tpu.vector_load %arg9[%parallel_loop3A_598, %parallel_loop3A_599, %parallel_loop3A_600] {strides = array<i32>} : memref<2x200x64xf32, #tpu.memory_space<vmem>>, vector<1x1x16xf32>,
        %parallel_loop3A_602 = vector.shape_cast %parallel_loop3A_601 : vector<1x1x16xf32> to vector<16xf32>
        %parallel_loop3A_603 = vector.shape_cast %parallel_loop3A_596 : vector<16xf32> to vector<1x1x16xf32>
        tpu.vector_store %arg9[%parallel_loop3A_598, %parallel_loop3A_599, %parallel_loop3A_600], %parallel_loop3A_603 {strides = array<i32>} : memref<2x200x64xf32, #tpu.memory_space<vmem>>, vector<1x1x16xf32>,
        %parallel_loop3A_604 = arith.constant 0 : i32
        %parallel_loop3A_605 = arith.index_cast %parallel_loop3A_604 : i32 to index
        %parallel_loop3A_606 = arith.index_cast %parallel_loop3A_567 : i32 to index
        %parallel_loop3A_607 = arith.constant 32 : index
        %parallel_loop3A_608 = tpu.vector_load %arg8[%parallel_loop3A_605, %parallel_loop3A_606, %parallel_loop3A_607] {strides = array<i32>} : memref<2x200x64xf32, #tpu.memory_space<vmem>>, vector<1x1x16xf32>,
        %parallel_loop3A_609 = vector.shape_cast %parallel_loop3A_608 : vector<1x1x16xf32> to vector<16xf32>
        %parallel_loop3A_610 = arith.index_cast %parallel_loop3A_567 : i32 to index
        %parallel_loop3A_611 = arith.constant 32 : index
        %parallel_loop3A_612 = tpu.vector_load %arg7[%parallel_loop3A_610, %parallel_loop3A_611] {strides = array<i32>} : memref<200x64xf32, #tpu.memory_space<vmem>>, vector<1x16xf32>,
        %parallel_loop3A_613 = vector.shape_cast %parallel_loop3A_612 : vector<1x16xf32> to vector<16xf32>
        %parallel_loop3A_614 = arith.addf %parallel_loop3A_609, %parallel_loop3A_613 : vector<16xf32>
        %parallel_loop3A_615 = arith.constant 0 : i32
        %parallel_loop3A_616 = arith.index_cast %parallel_loop3A_615 : i32 to index
        %parallel_loop3A_617 = arith.index_cast %parallel_loop3A_567 : i32 to index
        %parallel_loop3A_618 = arith.constant 32 : index
        %parallel_loop3A_619 = tpu.vector_load %arg9[%parallel_loop3A_616, %parallel_loop3A_617, %parallel_loop3A_618] {strides = array<i32>} : memref<2x200x64xf32, #tpu.memory_space<vmem>>, vector<1x1x16xf32>,
        %parallel_loop3A_620 = vector.shape_cast %parallel_loop3A_619 : vector<1x1x16xf32> to vector<16xf32>
        %parallel_loop3A_621 = vector.shape_cast %parallel_loop3A_614 : vector<16xf32> to vector<1x1x16xf32>
        tpu.vector_store %arg9[%parallel_loop3A_616, %parallel_loop3A_617, %parallel_loop3A_618], %parallel_loop3A_621 {strides = array<i32>} : memref<2x200x64xf32, #tpu.memory_space<vmem>>, vector<1x1x16xf32>,
        %parallel_loop3A_622 = arith.constant 0 : i32
        %parallel_loop3A_623 = arith.index_cast %parallel_loop3A_622 : i32 to index
        %parallel_loop3A_624 = arith.index_cast %parallel_loop3A_567 : i32 to index
        %parallel_loop3A_625 = arith.constant 48 : index
        %parallel_loop3A_626 = tpu.vector_load %arg8[%parallel_loop3A_623, %parallel_loop3A_624, %parallel_loop3A_625] {strides = array<i32>} : memref<2x200x64xf32, #tpu.memory_space<vmem>>, vector<1x1x16xf32>,
        %parallel_loop3A_627 = vector.shape_cast %parallel_loop3A_626 : vector<1x1x16xf32> to vector<16xf32>
        %parallel_loop3A_628 = arith.index_cast %parallel_loop3A_567 : i32 to index
        %parallel_loop3A_629 = arith.constant 48 : index
        %parallel_loop3A_630 = tpu.vector_load %arg7[%parallel_loop3A_628, %parallel_loop3A_629] {strides = array<i32>} : memref<200x64xf32, #tpu.memory_space<vmem>>, vector<1x16xf32>,
        %parallel_loop3A_631 = vector.shape_cast %parallel_loop3A_630 : vector<1x16xf32> to vector<16xf32>
        %parallel_loop3A_632 = arith.addf %parallel_loop3A_627, %parallel_loop3A_631 : vector<16xf32>
        %parallel_loop3A_633 = arith.constant 0 : i32
        %parallel_loop3A_634 = arith.index_cast %parallel_loop3A_633 : i32 to index
        %parallel_loop3A_635 = arith.index_cast %parallel_loop3A_567 : i32 to index
        %parallel_loop3A_636 = arith.constant 48 : index
        %parallel_loop3A_637 = tpu.vector_load %arg9[%parallel_loop3A_634, %parallel_loop3A_635, %parallel_loop3A_636] {strides = array<i32>} : memref<2x200x64xf32, #tpu.memory_space<vmem>>, vector<1x1x16xf32>,
        %parallel_loop3A_638 = vector.shape_cast %parallel_loop3A_637 : vector<1x1x16xf32> to vector<16xf32>
        %parallel_loop3A_639 = vector.shape_cast %parallel_loop3A_632 : vector<16xf32> to vector<1x1x16xf32>
        tpu.vector_store %arg9[%parallel_loop3A_634, %parallel_loop3A_635, %parallel_loop3A_636], %parallel_loop3A_639 {strides = array<i32>} : memref<2x200x64xf32, #tpu.memory_space<vmem>>, vector<1x1x16xf32>,
      } {sc.loop_unroll_factor = 4 : i64, sc.parallel_access}
      %mul3A_428 = arith.constant 128 : i32
      %mul3A_429 = arith.muli %add3A, %mul3A_428 : i32
      %add3A_430 = arith.addi %mul3A_429, %add3A_381 : i32
      %dma_start3A_431 = arith.constant 0 : i32
      %dma_start3A_432 = arith.constant 0 : i32
      %dma_start3A_433 = arith.constant 0 : i32
      %dma_start3A_434 = tpu.memref_slice %arg9[%dma_start3A_431, %dma_start3A_432, %dma_start3A_433] : memref<2x200x64xf32, #tpu.memory_space<vmem>> -> memref<1x200x64xf32, #tpu.memory_space<vmem>>
      %dma_start3A_435 = tpu.memref_squeeze %dma_start3A_434 : memref<1x200x64xf32, #tpu.memory_space<vmem>> -> memref<200x64xf32, #tpu.memory_space<vmem>>
      %dma_start3A_436 = arith.constant 0 : i32
      %dma_start3A_437 = arith.constant 0 : i32
      %dma_start3A_438 = tpu.memref_slice %arg5[%add3A_430, %dma_start3A_436, %dma_start3A_437] : memref<4096x200x128xf32, #tpu.memory_space<hbm>> -> memref<1x200x64xf32, #tpu.memory_space<hbm>>
      %dma_start3A_439 = tpu.memref_squeeze %dma_start3A_438 : memref<1x200x64xf32, #tpu.memory_space<hbm>> -> memref<200x64xf32, #tpu.memory_space<hbm>>
      %dma_start3A_440 = arith.constant 0 : i32
      %dma_start3A_441 = arith.constant 0 : i32
      %dma_start3A_442 = tpu.memref_slice %arg5[%add3A_430, %dma_start3A_440, %dma_start3A_441] : memref<4096x200x128xf32, #tpu.memory_space<hbm>> -> memref<1x200x64xf32, #tpu.memory_space<hbm>>
      %dma_start3A_443 = tpu.memref_squeeze %dma_start3A_442 : memref<1x200x64xf32, #tpu.memory_space<hbm>> -> memref<200x64xf32, #tpu.memory_space<hbm>>
      %dma_start3A_444 = arith.constant 0 : i32
      %dma_start3A_445 = arith.constant 0 : i32
      %dma_start3A_446 = tpu.memref_slice %arg9[%dma_start3A_431, %dma_start3A_444, %dma_start3A_445] : memref<2x200x64xf32, #tpu.memory_space<vmem>> -> memref<1x200x64xf32, #tpu.memory_space<vmem>>
      %dma_start3A_447 = tpu.memref_squeeze %dma_start3A_446 : memref<1x200x64xf32, #tpu.memory_space<vmem>> -> memref<200x64xf32, #tpu.memory_space<vmem>>
      tpu.enqueue_dma source(%dma_start3A_447 : memref<200x64xf32, #tpu.memory_space<vmem>>) target(%dma_start3A_443 : memref<200x64xf32, #tpu.memory_space<hbm>>) target_semaphore(%arg12 : memref<!tpu.dma_semaphore, #tpu.memory_space<semaphore_mem>>)
      %add3A_448 = arith.constant 2 : i32
      %add3A_449 = arith.addi %add3A_381, %add3A_448 : i32
      %dma_start3A_450 = arith.constant 0 : i32
      %dma_start3A_451 = arith.constant 0 : i32
      %dma_start3A_452 = arith.constant 0 : i32
      %dma_start3A_453 = tpu.memref_slice %arg8[%dma_start3A_450, %dma_start3A_451, %dma_start3A_452] : memref<2x200x64xf32, #tpu.memory_space<vmem>> -> memref<1x104x64xf32, #tpu.memory_space<vmem>>
      %dma_start3A_454 = tpu.memref_squeeze %dma_start3A_453 : memref<1x104x64xf32, #tpu.memory_space<vmem>> -> memref<104x64xf32, #tpu.memory_space<vmem>>
      %dma_start3A_455 = arith.constant 0 : i32
      %dma_start3A_456 = tpu.memref_slice %arg6[%add3A_449, %dma_start3A_455] : memref<128x200xi32, #tpu.memory_space<vmem>> -> memref<1x104xi32, #tpu.memory_space<vmem>>
      %dma_start3A_457 = tpu.memref_squeeze %dma_start3A_456 : memref<1x104xi32, #tpu.memory_space<vmem>> -> memref<104xi32, #tpu.memory_space<vmem>>
      %dma_start3A_458 = arith.constant 0 : i32
      %dma_start3A_459 = arith.constant 0 : i32
      %dma_start3A_460 = tpu.memref_slice %arg2[%dma_start3A_458, %dma_start3A_459] : memref<100000x64xf32, #tpu.memory_space<hbm>> -> memref<100000x64xf32, #tpu.memory_space<hbm>>
      tpu.enqueue_indirect_dma source(%dma_start3A_460 : memref<100000x64xf32, #tpu.memory_space<hbm>>) target(%dma_start3A_454 : memref<104x64xf32, #tpu.memory_space<vmem>>) offsets(%dma_start3A_457 : memref<104xi32, #tpu.memory_space<vmem>>) semaphore(%arg10 : memref<!tpu.dma_semaphore, #tpu.memory_space<semaphore_mem>>)
      %dma_start3A_461 = arith.constant 0 : i32
      %dma_start3A_462 = arith.constant 104 : i32
      %dma_start3A_463 = arith.constant 0 : i32
      %dma_start3A_464 = tpu.memref_slice %arg8[%dma_start3A_461, %dma_start3A_462, %dma_start3A_463] : memref<2x200x64xf32, #tpu.memory_space<vmem>> -> memref<1x96x64xf32, #tpu.memory_space<vmem>>
      %dma_start3A_465 = tpu.memref_squeeze %dma_start3A_464 : memref<1x96x64xf32, #tpu.memory_space<vmem>> -> memref<96x64xf32, #tpu.memory_space<vmem>>
      %dma_start3A_466 = arith.constant 104 : i32
      %dma_start3A_467 = tpu.memref_slice %arg6[%add3A_449, %dma_start3A_466] : memref<128x200xi32, #tpu.memory_space<vmem>> -> memref<1x96xi32, #tpu.memory_space<vmem>>
      %dma_start3A_468 = tpu.memref_squeeze %dma_start3A_467 : memref<1x96xi32, #tpu.memory_space<vmem>> -> memref<96xi32, #tpu.memory_space<vmem>>
      %dma_start3A_469 = arith.constant 0 : i32
      %dma_start3A_470 = arith.constant 0 : i32
      %dma_start3A_471 = tpu.memref_slice %arg2[%dma_start3A_469, %dma_start3A_470] : memref<100000x64xf32, #tpu.memory_space<hbm>> -> memref<100000x64xf32, #tpu.memory_space<hbm>>
      tpu.enqueue_indirect_dma source(%dma_start3A_471 : memref<100000x64xf32, #tpu.memory_space<hbm>>) target(%dma_start3A_465 : memref<96x64xf32, #tpu.memory_space<vmem>>) offsets(%dma_start3A_468 : memref<96xi32, #tpu.memory_space<vmem>>) semaphore(%arg10 : memref<!tpu.dma_semaphore, #tpu.memory_space<semaphore_mem>>)
      %mul3A_472 = arith.constant 2 : i32
      %mul3A_473 = arith.muli %scan3A_377, %mul3A_472 : i32
      %add3A_474 = arith.constant 1 : i32
      %add3A_475 = arith.addi %mul3A_473, %add3A_474 : i32
      %dma_wait3A_476 = arith.constant 1 : i32
      %dma_wait3A_477 = arith.constant 0 : i32
      %dma_wait3A_478 = arith.constant 0 : i32
      %dma_wait3A_479 = tpu.memref_slice %arg8[%dma_wait3A_476, %dma_wait3A_477, %dma_wait3A_478] : memref<2x200x64xf32, #tpu.memory_space<vmem>> -> memref<1x104x64xf32, #tpu.memory_space<vmem>>
      %dma_wait3A_480 = tpu.memref_squeeze %dma_wait3A_479 : memref<1x104x64xf32, #tpu.memory_space<vmem>> -> memref<104x64xf32, #tpu.memory_space<vmem>>
      %dma_wait3A_481 = arith.constant 0 : i32
      %dma_wait3A_482 = tpu.memref_slice %arg6[%add3A_475, %dma_wait3A_481] : memref<128x200xi32, #tpu.memory_space<vmem>> -> memref<1x104xi32, #tpu.memory_space<vmem>>
      %dma_wait3A_483 = tpu.memref_squeeze %dma_wait3A_482 : memref<1x104xi32, #tpu.memory_space<vmem>> -> memref<104xi32, #tpu.memory_space<vmem>>
      %dma_wait3A_484 = arith.constant 0 : i32
      %dma_wait3A_485 = arith.constant 0 : i32
      %dma_wait3A_486 = tpu.memref_slice %arg2[%dma_wait3A_484, %dma_wait3A_485] : memref<100000x64xf32, #tpu.memory_space<hbm>> -> memref<100000x64xf32, #tpu.memory_space<hbm>>
      tpu.wait_indirect_dma semaphore(%arg11 : memref<!tpu.dma_semaphore, #tpu.memory_space<semaphore_mem>>) src(%dma_wait3A_486 : memref<100000x64xf32, #tpu.memory_space<hbm>>) dst(%dma_wait3A_480 : memref<104x64xf32, #tpu.memory_space<vmem>>)
      %dma_wait3A_487 = arith.constant 1 : i32
      %dma_wait3A_488 = arith.constant 104 : i32
      %dma_wait3A_489 = arith.constant 0 : i32
      %dma_wait3A_490 = tpu.memref_slice %arg8[%dma_wait3A_487, %dma_wait3A_488, %dma_wait3A_489] : memref<2x200x64xf32, #tpu.memory_space<vmem>> -> memref<1x96x64xf32, #tpu.memory_space<vmem>>
      %dma_wait3A_491 = tpu.memref_squeeze %dma_wait3A_490 : memref<1x96x64xf32, #tpu.memory_space<vmem>> -> memref<96x64xf32, #tpu.memory_space<vmem>>
      %dma_wait3A_492 = arith.constant 104 : i32
      %dma_wait3A_493 = tpu.memref_slice %arg6[%add3A_475, %dma_wait3A_492] : memref<128x200xi32, #tpu.memory_space<vmem>> -> memref<1x96xi32, #tpu.memory_space<vmem>>
      %dma_wait3A_494 = tpu.memref_squeeze %dma_wait3A_493 : memref<1x96xi32, #tpu.memory_space<vmem>> -> memref<96xi32, #tpu.memory_space<vmem>>
      %dma_wait3A_495 = arith.constant 0 : i32
      %dma_wait3A_496 = arith.constant 0 : i32
      %dma_wait3A_497 = tpu.memref_slice %arg2[%dma_wait3A_495, %dma_wait3A_496] : memref<100000x64xf32, #tpu.memory_space<hbm>> -> memref<100000x64xf32, #tpu.memory_space<hbm>>
      tpu.wait_indirect_dma semaphore(%arg11 : memref<!tpu.dma_semaphore, #tpu.memory_space<semaphore_mem>>) src(%dma_wait3A_497 : memref<100000x64xf32, #tpu.memory_space<hbm>>) dst(%dma_wait3A_491 : memref<96x64xf32, #tpu.memory_space<vmem>>)
      %sub3A_498 = arith.constant 2 : i32
      %sub3A_499 = arith.subi %add3A_475, %sub3A_498 : i32
      %mul3A_500 = arith.constant 128 : i32
      %mul3A_501 = arith.muli %add3A, %mul3A_500 : i32
      %add3A_502 = arith.addi %mul3A_501, %sub3A_499 : i32
      %dma_wait3A_503 = arith.constant 1 : i32
      %dma_wait3A_504 = arith.constant 0 : i32
      %dma_wait3A_505 = arith.constant 0 : i32
      %dma_wait3A_506 = tpu.memref_slice %arg9[%dma_wait3A_503, %dma_wait3A_504, %dma_wait3A_505] : memref<2x200x64xf32, #tpu.memory_space<vmem>> -> memref<1x200x64xf32, #tpu.memory_space<vmem>>
      %dma_wait3A_507 = tpu.memref_squeeze %dma_wait3A_506 : memref<1x200x64xf32, #tpu.memory_space<vmem>> -> memref<200x64xf32, #tpu.memory_space<vmem>>
      %dma_wait3A_508 = arith.constant 0 : i32
      %dma_wait3A_509 = arith.constant 0 : i32
      %dma_wait3A_510 = tpu.memref_slice %arg5[%add3A_502, %dma_wait3A_508, %dma_wait3A_509] : memref<4096x200x128xf32, #tpu.memory_space<hbm>> -> memref<1x200x64xf32, #tpu.memory_space<hbm>>
      %dma_wait3A_511 = tpu.memref_squeeze %dma_wait3A_510 : memref<1x200x64xf32, #tpu.memory_space<hbm>> -> memref<200x64xf32, #tpu.memory_space<hbm>>
      %dma_wait3A_512 = arith.constant 0 : i32
      %dma_wait3A_513 = arith.constant 0 : i32
      %dma_wait3A_514 = tpu.memref_slice %arg5[%add3A_502, %dma_wait3A_512, %dma_wait3A_513] : memref<4096x200x128xf32, #tpu.memory_space<hbm>> -> memref<1x200x64xf32, #tpu.memory_space<hbm>>
      %dma_wait3A_515 = tpu.memref_squeeze %dma_wait3A_514 : memref<1x200x64xf32, #tpu.memory_space<hbm>> -> memref<200x64xf32, #tpu.memory_space<hbm>>
      %dma_wait3A_516 = arith.constant 0 : i32
      %dma_wait3A_517 = arith.constant 0 : i32
      %dma_wait3A_518 = tpu.memref_slice %arg9[%dma_wait3A_503, %dma_wait3A_516, %dma_wait3A_517] : memref<2x200x64xf32, #tpu.memory_space<vmem>> -> memref<1x200x64xf32, #tpu.memory_space<vmem>>
      %dma_wait3A_519 = tpu.memref_squeeze %dma_wait3A_518 : memref<1x200x64xf32, #tpu.memory_space<vmem>> -> memref<200x64xf32, #tpu.memory_space<vmem>>
      tpu.wait_dma2 semaphore(%arg13 : memref<!tpu.dma_semaphore, #tpu.memory_space<semaphore_mem>>) src(%dma_wait3A_519 : memref<200x64xf32, #tpu.memory_space<vmem>>) dst(%dma_wait3A_515 : memref<200x64xf32, #tpu.memory_space<hbm>>)
      %parallel_loop3A_520 = arith.constant 0 : i32
      %parallel_loop3A_521 = arith.constant 200 : i32
      %parallel_loop3A_522 = arith.constant 1 : i32
      scf.for %parallel_loop3A_567 = %parallel_loop3A_520 to %parallel_loop3A_521 step %parallel_loop3A_522  : i32 {
        %parallel_loop3A_568 = arith.constant 1 : i32
        %parallel_loop3A_569 = arith.index_cast %parallel_loop3A_568 : i32 to index
        %parallel_loop3A_570 = arith.index_cast %parallel_loop3A_567 : i32 to index
        %parallel_loop3A_571 = arith.constant 0 : index
        %parallel_loop3A_572 = tpu.vector_load %arg8[%parallel_loop3A_569, %parallel_loop3A_570, %parallel_loop3A_571] {strides = array<i32>} : memref<2x200x64xf32, #tpu.memory_space<vmem>>, vector<1x1x16xf32>,
        %parallel_loop3A_573 = vector.shape_cast %parallel_loop3A_572 : vector<1x1x16xf32> to vector<16xf32>
        %parallel_loop3A_574 = arith.index_cast %parallel_loop3A_567 : i32 to index
        %parallel_loop3A_575 = arith.constant 0 : index
        %parallel_loop3A_576 = tpu.vector_load %arg7[%parallel_loop3A_574, %parallel_loop3A_575] {strides = array<i32>} : memref<200x64xf32, #tpu.memory_space<vmem>>, vector<1x16xf32>,
        %parallel_loop3A_577 = vector.shape_cast %parallel_loop3A_576 : vector<1x16xf32> to vector<16xf32>
        %parallel_loop3A_578 = arith.addf %parallel_loop3A_573, %parallel_loop3A_577 : vector<16xf32>
        %parallel_loop3A_579 = arith.constant 1 : i32
        %parallel_loop3A_580 = arith.index_cast %parallel_loop3A_579 : i32 to index
        %parallel_loop3A_581 = arith.index_cast %parallel_loop3A_567 : i32 to index
        %parallel_loop3A_582 = arith.constant 0 : index
        %parallel_loop3A_583 = tpu.vector_load %arg9[%parallel_loop3A_580, %parallel_loop3A_581, %parallel_loop3A_582] {strides = array<i32>} : memref<2x200x64xf32, #tpu.memory_space<vmem>>, vector<1x1x16xf32>,
        %parallel_loop3A_584 = vector.shape_cast %parallel_loop3A_583 : vector<1x1x16xf32> to vector<16xf32>
        %parallel_loop3A_585 = vector.shape_cast %parallel_loop3A_578 : vector<16xf32> to vector<1x1x16xf32>
        tpu.vector_store %arg9[%parallel_loop3A_580, %parallel_loop3A_581, %parallel_loop3A_582], %parallel_loop3A_585 {strides = array<i32>} : memref<2x200x64xf32, #tpu.memory_space<vmem>>, vector<1x1x16xf32>,
        %parallel_loop3A_586 = arith.constant 1 : i32
        %parallel_loop3A_587 = arith.index_cast %parallel_loop3A_586 : i32 to index
        %parallel_loop3A_588 = arith.index_cast %parallel_loop3A_567 : i32 to index
        %parallel_loop3A_589 = arith.constant 16 : index
        %parallel_loop3A_590 = tpu.vector_load %arg8[%parallel_loop3A_587, %parallel_loop3A_588, %parallel_loop3A_589] {strides = array<i32>} : memref<2x200x64xf32, #tpu.memory_space<vmem>>, vector<1x1x16xf32>,
        %parallel_loop3A_591 = vector.shape_cast %parallel_loop3A_590 : vector<1x1x16xf32> to vector<16xf32>
        %parallel_loop3A_592 = arith.index_cast %parallel_loop3A_567 : i32 to index
        %parallel_loop3A_593 = arith.constant 16 : index
        %parallel_loop3A_594 = tpu.vector_load %arg7[%parallel_loop3A_592, %parallel_loop3A_593] {strides = array<i32>} : memref<200x64xf32, #tpu.memory_space<vmem>>, vector<1x16xf32>,
        %parallel_loop3A_595 = vector.shape_cast %parallel_loop3A_594 : vector<1x16xf32> to vector<16xf32>
        %parallel_loop3A_596 = arith.addf %parallel_loop3A_591, %parallel_loop3A_595 : vector<16xf32>
        %parallel_loop3A_597 = arith.constant 1 : i32
        %parallel_loop3A_598 = arith.index_cast %parallel_loop3A_597 : i32 to index
        %parallel_loop3A_599 = arith.index_cast %parallel_loop3A_567 : i32 to index
        %parallel_loop3A_600 = arith.constant 16 : index
        %parallel_loop3A_601 = tpu.vector_load %arg9[%parallel_loop3A_598, %parallel_loop3A_599, %parallel_loop3A_600] {strides = array<i32>} : memref<2x200x64xf32, #tpu.memory_space<vmem>>, vector<1x1x16xf32>,
        %parallel_loop3A_602 = vector.shape_cast %parallel_loop3A_601 : vector<1x1x16xf32> to vector<16xf32>
        %parallel_loop3A_603 = vector.shape_cast %parallel_loop3A_596 : vector<16xf32> to vector<1x1x16xf32>
        tpu.vector_store %arg9[%parallel_loop3A_598, %parallel_loop3A_599, %parallel_loop3A_600], %parallel_loop3A_603 {strides = array<i32>} : memref<2x200x64xf32, #tpu.memory_space<vmem>>, vector<1x1x16xf32>,
        %parallel_loop3A_604 = arith.constant 1 : i32
        %parallel_loop3A_605 = arith.index_cast %parallel_loop3A_604 : i32 to index
        %parallel_loop3A_606 = arith.index_cast %parallel_loop3A_567 : i32 to index
        %parallel_loop3A_607 = arith.constant 32 : index
        %parallel_loop3A_608 = tpu.vector_load %arg8[%parallel_loop3A_605, %parallel_loop3A_606, %parallel_loop3A_607] {strides = array<i32>} : memref<2x200x64xf32, #tpu.memory_space<vmem>>, vector<1x1x16xf32>,
        %parallel_loop3A_609 = vector.shape_cast %parallel_loop3A_608 : vector<1x1x16xf32> to vector<16xf32>
        %parallel_loop3A_610 = arith.index_cast %parallel_loop3A_567 : i32 to index
        %parallel_loop3A_611 = arith.constant 32 : index
        %parallel_loop3A_612 = tpu.vector_load %arg7[%parallel_loop3A_610, %parallel_loop3A_611] {strides = array<i32>} : memref<200x64xf32, #tpu.memory_space<vmem>>, vector<1x16xf32>,
        %parallel_loop3A_613 = vector.shape_cast %parallel_loop3A_612 : vector<1x16xf32> to vector<16xf32>
        %parallel_loop3A_614 = arith.addf %parallel_loop3A_609, %parallel_loop3A_613 : vector<16xf32>
        %parallel_loop3A_615 = arith.constant 1 : i32
        %parallel_loop3A_616 = arith.index_cast %parallel_loop3A_615 : i32 to index
        %parallel_loop3A_617 = arith.index_cast %parallel_loop3A_567 : i32 to index
        %parallel_loop3A_618 = arith.constant 32 : index
        %parallel_loop3A_619 = tpu.vector_load %arg9[%parallel_loop3A_616, %parallel_loop3A_617, %parallel_loop3A_618] {strides = array<i32>} : memref<2x200x64xf32, #tpu.memory_space<vmem>>, vector<1x1x16xf32>,
        %parallel_loop3A_620 = vector.shape_cast %parallel_loop3A_619 : vector<1x1x16xf32> to vector<16xf32>
        %parallel_loop3A_621 = vector.shape_cast %parallel_loop3A_614 : vector<16xf32> to vector<1x1x16xf32>
        tpu.vector_store %arg9[%parallel_loop3A_616, %parallel_loop3A_617, %parallel_loop3A_618], %parallel_loop3A_621 {strides = array<i32>} : memref<2x200x64xf32, #tpu.memory_space<vmem>>, vector<1x1x16xf32>,
        %parallel_loop3A_622 = arith.constant 1 : i32
        %parallel_loop3A_623 = arith.index_cast %parallel_loop3A_622 : i32 to index
        %parallel_loop3A_624 = arith.index_cast %parallel_loop3A_567 : i32 to index
        %parallel_loop3A_625 = arith.constant 48 : index
        %parallel_loop3A_626 = tpu.vector_load %arg8[%parallel_loop3A_623, %parallel_loop3A_624, %parallel_loop3A_625] {strides = array<i32>} : memref<2x200x64xf32, #tpu.memory_space<vmem>>, vector<1x1x16xf32>,
        %parallel_loop3A_627 = vector.shape_cast %parallel_loop3A_626 : vector<1x1x16xf32> to vector<16xf32>
        %parallel_loop3A_628 = arith.index_cast %parallel_loop3A_567 : i32 to index
        %parallel_loop3A_629 = arith.constant 48 : index
        %parallel_loop3A_630 = tpu.vector_load %arg7[%parallel_loop3A_628, %parallel_loop3A_629] {strides = array<i32>} : memref<200x64xf32, #tpu.memory_space<vmem>>, vector<1x16xf32>,
        %parallel_loop3A_631 = vector.shape_cast %parallel_loop3A_630 : vector<1x16xf32> to vector<16xf32>
        %parallel_loop3A_632 = arith.addf %parallel_loop3A_627, %parallel_loop3A_631 : vector<16xf32>
        %parallel_loop3A_633 = arith.constant 1 : i32
        %parallel_loop3A_634 = arith.index_cast %parallel_loop3A_633 : i32 to index
        %parallel_loop3A_635 = arith.index_cast %parallel_loop3A_567 : i32 to index
        %parallel_loop3A_636 = arith.constant 48 : index
        %parallel_loop3A_637 = tpu.vector_load %arg9[%parallel_loop3A_634, %parallel_loop3A_635, %parallel_loop3A_636] {strides = array<i32>} : memref<2x200x64xf32, #tpu.memory_space<vmem>>, vector<1x1x16xf32>,
        %parallel_loop3A_638 = vector.shape_cast %parallel_loop3A_637 : vector<1x1x16xf32> to vector<16xf32>
        %parallel_loop3A_639 = vector.shape_cast %parallel_loop3A_632 : vector<16xf32> to vector<1x1x16xf32>
        tpu.vector_store %arg9[%parallel_loop3A_634, %parallel_loop3A_635, %parallel_loop3A_636], %parallel_loop3A_639 {strides = array<i32>} : memref<2x200x64xf32, #tpu.memory_space<vmem>>, vector<1x1x16xf32>,
      } {sc.loop_unroll_factor = 4 : i64, sc.parallel_access}
      %mul3A_523 = arith.constant 128 : i32
      %mul3A_524 = arith.muli %add3A, %mul3A_523 : i32
      %add3A_525 = arith.addi %mul3A_524, %add3A_475 : i32
      %dma_start3A_526 = arith.constant 1 : i32
      %dma_start3A_527 = arith.constant 0 : i32
      %dma_start3A_528 = arith.constant 0 : i32
      %dma_start3A_529 = tpu.memref_slice %arg9[%dma_start3A_526, %dma_start3A_527, %dma_start3A_528] : memref<2x200x64xf32, #tpu.memory_space<vmem>> -> memref<1x200x64xf32, #tpu.memory_space<vmem>>
      %dma_start3A_530 = tpu.memref_squeeze %dma_start3A_529 : memref<1x200x64xf32, #tpu.memory_space<vmem>> -> memref<200x64xf32, #tpu.memory_space<vmem>>
      %dma_start3A_531 = arith.constant 0 : i32
      %dma_start3A_532 = arith.constant 0 : i32
      %dma_start3A_533 = tpu.memref_slice %arg5[%add3A_525, %dma_start3A_531, %dma_start3A_532] : memref<4096x200x128xf32, #tpu.memory_space<hbm>> -> memref<1x200x64xf32, #tpu.memory_space<hbm>>
      %dma_start3A_534 = tpu.memref_squeeze %dma_start3A_533 : memref<1x200x64xf32, #tpu.memory_space<hbm>> -> memref<200x64xf32, #tpu.memory_space<hbm>>
      %dma_start3A_535 = arith.constant 0 : i32
      %dma_start3A_536 = arith.constant 0 : i32
      %dma_start3A_537 = tpu.memref_slice %arg5[%add3A_525, %dma_start3A_535, %dma_start3A_536] : memref<4096x200x128xf32, #tpu.memory_space<hbm>> -> memref<1x200x64xf32, #tpu.memory_space<hbm>>
      %dma_start3A_538 = tpu.memref_squeeze %dma_start3A_537 : memref<1x200x64xf32, #tpu.memory_space<hbm>> -> memref<200x64xf32, #tpu.memory_space<hbm>>
      %dma_start3A_539 = arith.constant 0 : i32
      %dma_start3A_540 = arith.constant 0 : i32
      %dma_start3A_541 = tpu.memref_slice %arg9[%dma_start3A_526, %dma_start3A_539, %dma_start3A_540] : memref<2x200x64xf32, #tpu.memory_space<vmem>> -> memref<1x200x64xf32, #tpu.memory_space<vmem>>
      %dma_start3A_542 = tpu.memref_squeeze %dma_start3A_541 : memref<1x200x64xf32, #tpu.memory_space<vmem>> -> memref<200x64xf32, #tpu.memory_space<vmem>>
      tpu.enqueue_dma source(%dma_start3A_542 : memref<200x64xf32, #tpu.memory_space<vmem>>) target(%dma_start3A_538 : memref<200x64xf32, #tpu.memory_space<hbm>>) target_semaphore(%arg13 : memref<!tpu.dma_semaphore, #tpu.memory_space<semaphore_mem>>)
      %add3A_543 = arith.constant 2 : i32
      %add3A_544 = arith.addi %add3A_475, %add3A_543 : i32
      %dma_start3A_545 = arith.constant 1 : i32
      %dma_start3A_546 = arith.constant 0 : i32
      %dma_start3A_547 = arith.constant 0 : i32
      %dma_start3A_548 = tpu.memref_slice %arg8[%dma_start3A_545, %dma_start3A_546, %dma_start3A_547] : memref<2x200x64xf32, #tpu.memory_space<vmem>> -> memref<1x104x64xf32, #tpu.memory_space<vmem>>
      %dma_start3A_549 = tpu.memref_squeeze %dma_start3A_548 : memref<1x104x64xf32, #tpu.memory_space<vmem>> -> memref<104x64xf32, #tpu.memory_space<vmem>>
      %dma_start3A_550 = arith.constant 0 : i32
      %dma_start3A_551 = tpu.memref_slice %arg6[%add3A_544, %dma_start3A_550] : memref<128x200xi32, #tpu.memory_space<vmem>> -> memref<1x104xi32, #tpu.memory_space<vmem>>
      %dma_start3A_552 = tpu.memref_squeeze %dma_start3A_551 : memref<1x104xi32, #tpu.memory_space<vmem>> -> memref<104xi32, #tpu.memory_space<vmem>>
      %dma_start3A_553 = arith.constant 0 : i32
      %dma_start3A_554 = arith.constant 0 : i32
      %dma_start3A_555 = tpu.memref_slice %arg2[%dma_start3A_553, %dma_start3A_554] : memref<100000x64xf32, #tpu.memory_space<hbm>> -> memref<100000x64xf32, #tpu.memory_space<hbm>>
      tpu.enqueue_indirect_dma source(%dma_start3A_555 : memref<100000x64xf32, #tpu.memory_space<hbm>>) target(%dma_start3A_549 : memref<104x64xf32, #tpu.memory_space<vmem>>) offsets(%dma_start3A_552 : memref<104xi32, #tpu.memory_space<vmem>>) semaphore(%arg11 : memref<!tpu.dma_semaphore, #tpu.memory_space<semaphore_mem>>)
      %dma_start3A_556 = arith.constant 1 : i32
      %dma_start3A_557 = arith.constant 104 : i32
      %dma_start3A_558 = arith.constant 0 : i32
      %dma_start3A_559 = tpu.memref_slice %arg8[%dma_start3A_556, %dma_start3A_557, %dma_start3A_558] : memref<2x200x64xf32, #tpu.memory_space<vmem>> -> memref<1x96x64xf32, #tpu.memory_space<vmem>>
      %dma_start3A_560 = tpu.memref_squeeze %dma_start3A_559 : memref<1x96x64xf32, #tpu.memory_space<vmem>> -> memref<96x64xf32, #tpu.memory_space<vmem>>
      %dma_start3A_561 = arith.constant 104 : i32
      %dma_start3A_562 = tpu.memref_slice %arg6[%add3A_544, %dma_start3A_561] : memref<128x200xi32, #tpu.memory_space<vmem>> -> memref<1x96xi32, #tpu.memory_space<vmem>>
      %dma_start3A_563 = tpu.memref_squeeze %dma_start3A_562 : memref<1x96xi32, #tpu.memory_space<vmem>> -> memref<96xi32, #tpu.memory_space<vmem>>
      %dma_start3A_564 = arith.constant 0 : i32
      %dma_start3A_565 = arith.constant 0 : i32
      %dma_start3A_566 = tpu.memref_slice %arg2[%dma_start3A_564, %dma_start3A_565] : memref<100000x64xf32, #tpu.memory_space<hbm>> -> memref<100000x64xf32, #tpu.memory_space<hbm>>
      tpu.enqueue_indirect_dma source(%dma_start3A_566 : memref<100000x64xf32, #tpu.memory_space<hbm>>) target(%dma_start3A_560 : memref<96x64xf32, #tpu.memory_space<vmem>>) offsets(%dma_start3A_563 : memref<96xi32, #tpu.memory_space<vmem>>) semaphore(%arg11 : memref<!tpu.dma_semaphore, #tpu.memory_space<semaphore_mem>>)
    }
    %scan3A_196 = arith.constant 62 : i32
    %dma_wait3A_197 = arith.constant 126 : i32
    %dma_wait3A_198 = arith.constant 0 : i32
    %dma_wait3A_199 = arith.constant 0 : i32
    %dma_wait3A_200 = arith.constant 0 : i32
    %dma_wait3A_201 = tpu.memref_slice %arg8[%dma_wait3A_198, %dma_wait3A_199, %dma_wait3A_200] : memref<2x200x64xf32, #tpu.memory_space<vmem>> -> memref<1x104x64xf32, #tpu.memory_space<vmem>>
    %dma_wait3A_202 = tpu.memref_squeeze %dma_wait3A_201 : memref<1x104x64xf32, #tpu.memory_space<vmem>> -> memref<104x64xf32, #tpu.memory_space<vmem>>
    %dma_wait3A_203 = arith.constant 0 : i32
    %dma_wait3A_204 = tpu.memref_slice %arg6[%dma_wait3A_197, %dma_wait3A_203] : memref<128x200xi32, #tpu.memory_space<vmem>> -> memref<1x104xi32, #tpu.memory_space<vmem>>
    %dma_wait3A_205 = tpu.memref_squeeze %dma_wait3A_204 : memref<1x104xi32, #tpu.memory_space<vmem>> -> memref<104xi32, #tpu.memory_space<vmem>>
    %dma_wait3A_206 = arith.constant 0 : i32
    %dma_wait3A_207 = arith.constant 0 : i32
    %dma_wait3A_208 = tpu.memref_slice %arg2[%dma_wait3A_206, %dma_wait3A_207] : memref<100000x64xf32, #tpu.memory_space<hbm>> -> memref<100000x64xf32, #tpu.memory_space<hbm>>
    tpu.wait_indirect_dma semaphore(%arg10 : memref<!tpu.dma_semaphore, #tpu.memory_space<semaphore_mem>>) src(%dma_wait3A_208 : memref<100000x64xf32, #tpu.memory_space<hbm>>) dst(%dma_wait3A_202 : memref<104x64xf32, #tpu.memory_space<vmem>>)
    %dma_wait3A_209 = arith.constant 126 : i32
    %dma_wait3A_210 = arith.constant 0 : i32
    %dma_wait3A_211 = arith.constant 104 : i32
    %dma_wait3A_212 = arith.constant 0 : i32
    %dma_wait3A_213 = tpu.memref_slice %arg8[%dma_wait3A_210, %dma_wait3A_211, %dma_wait3A_212] : memref<2x200x64xf32, #tpu.memory_space<vmem>> -> memref<1x96x64xf32, #tpu.memory_space<vmem>>
    %dma_wait3A_214 = tpu.memref_squeeze %dma_wait3A_213 : memref<1x96x64xf32, #tpu.memory_space<vmem>> -> memref<96x64xf32, #tpu.memory_space<vmem>>
    %dma_wait3A_215 = arith.constant 104 : i32
    %dma_wait3A_216 = tpu.memref_slice %arg6[%dma_wait3A_209, %dma_wait3A_215] : memref<128x200xi32, #tpu.memory_space<vmem>> -> memref<1x96xi32, #tpu.memory_space<vmem>>
    %dma_wait3A_217 = tpu.memref_squeeze %dma_wait3A_216 : memref<1x96xi32, #tpu.memory_space<vmem>> -> memref<96xi32, #tpu.memory_space<vmem>>
    %dma_wait3A_218 = arith.constant 0 : i32
    %dma_wait3A_219 = arith.constant 0 : i32
    %dma_wait3A_220 = tpu.memref_slice %arg2[%dma_wait3A_218, %dma_wait3A_219] : memref<100000x64xf32, #tpu.memory_space<hbm>> -> memref<100000x64xf32, #tpu.memory_space<hbm>>
    tpu.wait_indirect_dma semaphore(%arg10 : memref<!tpu.dma_semaphore, #tpu.memory_space<semaphore_mem>>) src(%dma_wait3A_220 : memref<100000x64xf32, #tpu.memory_space<hbm>>) dst(%dma_wait3A_214 : memref<96x64xf32, #tpu.memory_space<vmem>>)
    %mul3A_221 = arith.constant 128 : i32
    %mul3A_222 = arith.muli %add3A, %mul3A_221 : i32
    %add3A_223 = arith.constant 124 : i32
    %add3A_224 = arith.addi %mul3A_222, %add3A_223 : i32
    %dma_wait3A_225 = arith.constant 0 : i32
    %dma_wait3A_226 = arith.constant 0 : i32
    %dma_wait3A_227 = arith.constant 0 : i32
    %dma_wait3A_228 = tpu.memref_slice %arg9[%dma_wait3A_225, %dma_wait3A_226, %dma_wait3A_227] : memref<2x200x64xf32, #tpu.memory_space<vmem>> -> memref<1x200x64xf32, #tpu.memory_space<vmem>>
    %dma_wait3A_229 = tpu.memref_squeeze %dma_wait3A_228 : memref<1x200x64xf32, #tpu.memory_space<vmem>> -> memref<200x64xf32, #tpu.memory_space<vmem>>
    %dma_wait3A_230 = arith.constant 0 : i32
    %dma_wait3A_231 = arith.constant 0 : i32
    %dma_wait3A_232 = tpu.memref_slice %arg5[%add3A_224, %dma_wait3A_230, %dma_wait3A_231] : memref<4096x200x128xf32, #tpu.memory_space<hbm>> -> memref<1x200x64xf32, #tpu.memory_space<hbm>>
    %dma_wait3A_233 = tpu.memref_squeeze %dma_wait3A_232 : memref<1x200x64xf32, #tpu.memory_space<hbm>> -> memref<200x64xf32, #tpu.memory_space<hbm>>
    %dma_wait3A_234 = arith.constant 0 : i32
    %dma_wait3A_235 = arith.constant 0 : i32
    %dma_wait3A_236 = tpu.memref_slice %arg5[%add3A_224, %dma_wait3A_234, %dma_wait3A_235] : memref<4096x200x128xf32, #tpu.memory_space<hbm>> -> memref<1x200x64xf32, #tpu.memory_space<hbm>>
    %dma_wait3A_237 = tpu.memref_squeeze %dma_wait3A_236 : memref<1x200x64xf32, #tpu.memory_space<hbm>> -> memref<200x64xf32, #tpu.memory_space<hbm>>
    %dma_wait3A_238 = arith.constant 0 : i32
    %dma_wait3A_239 = arith.constant 0 : i32
    %dma_wait3A_240 = tpu.memref_slice %arg9[%dma_wait3A_225, %dma_wait3A_238, %dma_wait3A_239] : memref<2x200x64xf32, #tpu.memory_space<vmem>> -> memref<1x200x64xf32, #tpu.memory_space<vmem>>
    %dma_wait3A_241 = tpu.memref_squeeze %dma_wait3A_240 : memref<1x200x64xf32, #tpu.memory_space<vmem>> -> memref<200x64xf32, #tpu.memory_space<vmem>>
    tpu.wait_dma2 semaphore(%arg12 : memref<!tpu.dma_semaphore, #tpu.memory_space<semaphore_mem>>) src(%dma_wait3A_241 : memref<200x64xf32, #tpu.memory_space<vmem>>) dst(%dma_wait3A_237 : memref<200x64xf32, #tpu.memory_space<hbm>>)
    %parallel_loop3A_242 = arith.constant 0 : i32
    %parallel_loop3A_243 = arith.constant 200 : i32
    %parallel_loop3A_244 = arith.constant 1 : i32
    scf.for %parallel_loop3A_377 = %parallel_loop3A_242 to %parallel_loop3A_243 step %parallel_loop3A_244  : i32 {
      %parallel_loop3A_378 = arith.constant 0 : i32
      %parallel_loop3A_379 = arith.index_cast %parallel_loop3A_378 : i32 to index
      %parallel_loop3A_380 = arith.index_cast %parallel_loop3A_377 : i32 to index
      %parallel_loop3A_381 = arith.constant 0 : index
      %parallel_loop3A_382 = tpu.vector_load %arg8[%parallel_loop3A_379, %parallel_loop3A_380, %parallel_loop3A_381] {strides = array<i32>} : memref<2x200x64xf32, #tpu.memory_space<vmem>>, vector<1x1x16xf32>,
      %parallel_loop3A_383 = vector.shape_cast %parallel_loop3A_382 : vector<1x1x16xf32> to vector<16xf32>
      %parallel_loop3A_384 = arith.index_cast %parallel_loop3A_377 : i32 to index
      %parallel_loop3A_385 = arith.constant 0 : index
      %parallel_loop3A_386 = tpu.vector_load %arg7[%parallel_loop3A_384, %parallel_loop3A_385] {strides = array<i32>} : memref<200x64xf32, #tpu.memory_space<vmem>>, vector<1x16xf32>,
      %parallel_loop3A_387 = vector.shape_cast %parallel_loop3A_386 : vector<1x16xf32> to vector<16xf32>
      %parallel_loop3A_388 = arith.addf %parallel_loop3A_383, %parallel_loop3A_387 : vector<16xf32>
      %parallel_loop3A_389 = arith.constant 0 : i32
      %parallel_loop3A_390 = arith.index_cast %parallel_loop3A_389 : i32 to index
      %parallel_loop3A_391 = arith.index_cast %parallel_loop3A_377 : i32 to index
      %parallel_loop3A_392 = arith.constant 0 : index
      %parallel_loop3A_393 = tpu.vector_load %arg9[%parallel_loop3A_390, %parallel_loop3A_391, %parallel_loop3A_392] {strides = array<i32>} : memref<2x200x64xf32, #tpu.memory_space<vmem>>, vector<1x1x16xf32>,
      %parallel_loop3A_394 = vector.shape_cast %parallel_loop3A_393 : vector<1x1x16xf32> to vector<16xf32>
      %parallel_loop3A_395 = vector.shape_cast %parallel_loop3A_388 : vector<16xf32> to vector<1x1x16xf32>
      tpu.vector_store %arg9[%parallel_loop3A_390, %parallel_loop3A_391, %parallel_loop3A_392], %parallel_loop3A_395 {strides = array<i32>} : memref<2x200x64xf32, #tpu.memory_space<vmem>>, vector<1x1x16xf32>,
      %parallel_loop3A_396 = arith.constant 0 : i32
      %parallel_loop3A_397 = arith.index_cast %parallel_loop3A_396 : i32 to index
      %parallel_loop3A_398 = arith.index_cast %parallel_loop3A_377 : i32 to index
      %parallel_loop3A_399 = arith.constant 16 : index
      %parallel_loop3A_400 = tpu.vector_load %arg8[%parallel_loop3A_397, %parallel_loop3A_398, %parallel_loop3A_399] {strides = array<i32>} : memref<2x200x64xf32, #tpu.memory_space<vmem>>, vector<1x1x16xf32>,
      %parallel_loop3A_401 = vector.shape_cast %parallel_loop3A_400 : vector<1x1x16xf32> to vector<16xf32>
      %parallel_loop3A_402 = arith.index_cast %parallel_loop3A_377 : i32 to index
      %parallel_loop3A_403 = arith.constant 16 : index
      %parallel_loop3A_404 = tpu.vector_load %arg7[%parallel_loop3A_402, %parallel_loop3A_403] {strides = array<i32>} : memref<200x64xf32, #tpu.memory_space<vmem>>, vector<1x16xf32>,
      %parallel_loop3A_405 = vector.shape_cast %parallel_loop3A_404 : vector<1x16xf32> to vector<16xf32>
      %parallel_loop3A_406 = arith.addf %parallel_loop3A_401, %parallel_loop3A_405 : vector<16xf32>
      %parallel_loop3A_407 = arith.constant 0 : i32
      %parallel_loop3A_408 = arith.index_cast %parallel_loop3A_407 : i32 to index
      %parallel_loop3A_409 = arith.index_cast %parallel_loop3A_377 : i32 to index
      %parallel_loop3A_410 = arith.constant 16 : index
      %parallel_loop3A_411 = tpu.vector_load %arg9[%parallel_loop3A_408, %parallel_loop3A_409, %parallel_loop3A_410] {strides = array<i32>} : memref<2x200x64xf32, #tpu.memory_space<vmem>>, vector<1x1x16xf32>,
      %parallel_loop3A_412 = vector.shape_cast %parallel_loop3A_411 : vector<1x1x16xf32> to vector<16xf32>
      %parallel_loop3A_413 = vector.shape_cast %parallel_loop3A_406 : vector<16xf32> to vector<1x1x16xf32>
      tpu.vector_store %arg9[%parallel_loop3A_408, %parallel_loop3A_409, %parallel_loop3A_410], %parallel_loop3A_413 {strides = array<i32>} : memref<2x200x64xf32, #tpu.memory_space<vmem>>, vector<1x1x16xf32>,
      %parallel_loop3A_414 = arith.constant 0 : i32
      %parallel_loop3A_415 = arith.index_cast %parallel_loop3A_414 : i32 to index
      %parallel_loop3A_416 = arith.index_cast %parallel_loop3A_377 : i32 to index
      %parallel_loop3A_417 = arith.constant 32 : index
      %parallel_loop3A_418 = tpu.vector_load %arg8[%parallel_loop3A_415, %parallel_loop3A_416, %parallel_loop3A_417] {strides = array<i32>} : memref<2x200x64xf32, #tpu.memory_space<vmem>>, vector<1x1x16xf32>,
      %parallel_loop3A_419 = vector.shape_cast %parallel_loop3A_418 : vector<1x1x16xf32> to vector<16xf32>
      %parallel_loop3A_420 = arith.index_cast %parallel_loop3A_377 : i32 to index
      %parallel_loop3A_421 = arith.constant 32 : index
      %parallel_loop3A_422 = tpu.vector_load %arg7[%parallel_loop3A_420, %parallel_loop3A_421] {strides = array<i32>} : memref<200x64xf32, #tpu.memory_space<vmem>>, vector<1x16xf32>,
      %parallel_loop3A_423 = vector.shape_cast %parallel_loop3A_422 : vector<1x16xf32> to vector<16xf32>
      %parallel_loop3A_424 = arith.addf %parallel_loop3A_419, %parallel_loop3A_423 : vector<16xf32>
      %parallel_loop3A_425 = arith.constant 0 : i32
      %parallel_loop3A_426 = arith.index_cast %parallel_loop3A_425 : i32 to index
      %parallel_loop3A_427 = arith.index_cast %parallel_loop3A_377 : i32 to index
      %parallel_loop3A_428 = arith.constant 32 : index
      %parallel_loop3A_429 = tpu.vector_load %arg9[%parallel_loop3A_426, %parallel_loop3A_427, %parallel_loop3A_428] {strides = array<i32>} : memref<2x200x64xf32, #tpu.memory_space<vmem>>, vector<1x1x16xf32>,
      %parallel_loop3A_430 = vector.shape_cast %parallel_loop3A_429 : vector<1x1x16xf32> to vector<16xf32>
      %parallel_loop3A_431 = vector.shape_cast %parallel_loop3A_424 : vector<16xf32> to vector<1x1x16xf32>
      tpu.vector_store %arg9[%parallel_loop3A_426, %parallel_loop3A_427, %parallel_loop3A_428], %parallel_loop3A_431 {strides = array<i32>} : memref<2x200x64xf32, #tpu.memory_space<vmem>>, vector<1x1x16xf32>,
      %parallel_loop3A_432 = arith.constant 0 : i32
      %parallel_loop3A_433 = arith.index_cast %parallel_loop3A_432 : i32 to index
      %parallel_loop3A_434 = arith.index_cast %parallel_loop3A_377 : i32 to index
      %parallel_loop3A_435 = arith.constant 48 : index
      %parallel_loop3A_436 = tpu.vector_load %arg8[%parallel_loop3A_433, %parallel_loop3A_434, %parallel_loop3A_435] {strides = array<i32>} : memref<2x200x64xf32, #tpu.memory_space<vmem>>, vector<1x1x16xf32>,
      %parallel_loop3A_437 = vector.shape_cast %parallel_loop3A_436 : vector<1x1x16xf32> to vector<16xf32>
      %parallel_loop3A_438 = arith.index_cast %parallel_loop3A_377 : i32 to index
      %parallel_loop3A_439 = arith.constant 48 : index
      %parallel_loop3A_440 = tpu.vector_load %arg7[%parallel_loop3A_438, %parallel_loop3A_439] {strides = array<i32>} : memref<200x64xf32, #tpu.memory_space<vmem>>, vector<1x16xf32>,
      %parallel_loop3A_441 = vector.shape_cast %parallel_loop3A_440 : vector<1x16xf32> to vector<16xf32>
      %parallel_loop3A_442 = arith.addf %parallel_loop3A_437, %parallel_loop3A_441 : vector<16xf32>
      %parallel_loop3A_443 = arith.constant 0 : i32
      %parallel_loop3A_444 = arith.index_cast %parallel_loop3A_443 : i32 to index
      %parallel_loop3A_445 = arith.index_cast %parallel_loop3A_377 : i32 to index
      %parallel_loop3A_446 = arith.constant 48 : index
      %parallel_loop3A_447 = tpu.vector_load %arg9[%parallel_loop3A_444, %parallel_loop3A_445, %parallel_loop3A_446] {strides = array<i32>} : memref<2x200x64xf32, #tpu.memory_space<vmem>>, vector<1x1x16xf32>,
      %parallel_loop3A_448 = vector.shape_cast %parallel_loop3A_447 : vector<1x1x16xf32> to vector<16xf32>
      %parallel_loop3A_449 = vector.shape_cast %parallel_loop3A_442 : vector<16xf32> to vector<1x1x16xf32>
      tpu.vector_store %arg9[%parallel_loop3A_444, %parallel_loop3A_445, %parallel_loop3A_446], %parallel_loop3A_449 {strides = array<i32>} : memref<2x200x64xf32, #tpu.memory_space<vmem>>, vector<1x1x16xf32>,
    } {sc.loop_unroll_factor = 4 : i64, sc.parallel_access}
    %mul3A_245 = arith.constant 128 : i32
    %mul3A_246 = arith.muli %add3A, %mul3A_245 : i32
    %add3A_247 = arith.constant 126 : i32
    %add3A_248 = arith.addi %mul3A_246, %add3A_247 : i32
    %dma_start3A_249 = arith.constant 0 : i32
    %dma_start3A_250 = arith.constant 0 : i32
    %dma_start3A_251 = arith.constant 0 : i32
    %dma_start3A_252 = tpu.memref_slice %arg9[%dma_start3A_249, %dma_start3A_250, %dma_start3A_251] : memref<2x200x64xf32, #tpu.memory_space<vmem>> -> memref<1x200x64xf32, #tpu.memory_space<vmem>>
    %dma_start3A_253 = tpu.memref_squeeze %dma_start3A_252 : memref<1x200x64xf32, #tpu.memory_space<vmem>> -> memref<200x64xf32, #tpu.memory_space<vmem>>
    %dma_start3A_254 = arith.constant 0 : i32
    %dma_start3A_255 = arith.constant 0 : i32
    %dma_start3A_256 = tpu.memref_slice %arg5[%add3A_248, %dma_start3A_254, %dma_start3A_255] : memref<4096x200x128xf32, #tpu.memory_space<hbm>> -> memref<1x200x64xf32, #tpu.memory_space<hbm>>
    %dma_start3A_257 = tpu.memref_squeeze %dma_start3A_256 : memref<1x200x64xf32, #tpu.memory_space<hbm>> -> memref<200x64xf32, #tpu.memory_space<hbm>>
    %dma_start3A_258 = arith.constant 0 : i32
    %dma_start3A_259 = arith.constant 0 : i32
    %dma_start3A_260 = tpu.memref_slice %arg5[%add3A_248, %dma_start3A_258, %dma_start3A_259] : memref<4096x200x128xf32, #tpu.memory_space<hbm>> -> memref<1x200x64xf32, #tpu.memory_space<hbm>>
    %dma_start3A_261 = tpu.memref_squeeze %dma_start3A_260 : memref<1x200x64xf32, #tpu.memory_space<hbm>> -> memref<200x64xf32, #tpu.memory_space<hbm>>
    %dma_start3A_262 = arith.constant 0 : i32
    %dma_start3A_263 = arith.constant 0 : i32
    %dma_start3A_264 = tpu.memref_slice %arg9[%dma_start3A_249, %dma_start3A_262, %dma_start3A_263] : memref<2x200x64xf32, #tpu.memory_space<vmem>> -> memref<1x200x64xf32, #tpu.memory_space<vmem>>
    %dma_start3A_265 = tpu.memref_squeeze %dma_start3A_264 : memref<1x200x64xf32, #tpu.memory_space<vmem>> -> memref<200x64xf32, #tpu.memory_space<vmem>>
    tpu.enqueue_dma source(%dma_start3A_265 : memref<200x64xf32, #tpu.memory_space<vmem>>) target(%dma_start3A_261 : memref<200x64xf32, #tpu.memory_space<hbm>>) target_semaphore(%arg12 : memref<!tpu.dma_semaphore, #tpu.memory_space<semaphore_mem>>)
    %dma_wait3A_266 = arith.constant 127 : i32
    %dma_wait3A_267 = arith.constant 1 : i32
    %dma_wait3A_268 = arith.constant 0 : i32
    %dma_wait3A_269 = arith.constant 0 : i32
    %dma_wait3A_270 = tpu.memref_slice %arg8[%dma_wait3A_267, %dma_wait3A_268, %dma_wait3A_269] : memref<2x200x64xf32, #tpu.memory_space<vmem>> -> memref<1x104x64xf32, #tpu.memory_space<vmem>>
    %dma_wait3A_271 = tpu.memref_squeeze %dma_wait3A_270 : memref<1x104x64xf32, #tpu.memory_space<vmem>> -> memref<104x64xf32, #tpu.memory_space<vmem>>
    %dma_wait3A_272 = arith.constant 0 : i32
    %dma_wait3A_273 = tpu.memref_slice %arg6[%dma_wait3A_266, %dma_wait3A_272] : memref<128x200xi32, #tpu.memory_space<vmem>> -> memref<1x104xi32, #tpu.memory_space<vmem>>
    %dma_wait3A_274 = tpu.memref_squeeze %dma_wait3A_273 : memref<1x104xi32, #tpu.memory_space<vmem>> -> memref<104xi32, #tpu.memory_space<vmem>>
    %dma_wait3A_275 = arith.constant 0 : i32
    %dma_wait3A_276 = arith.constant 0 : i32
    %dma_wait3A_277 = tpu.memref_slice %arg2[%dma_wait3A_275, %dma_wait3A_276] : memref<100000x64xf32, #tpu.memory_space<hbm>> -> memref<100000x64xf32, #tpu.memory_space<hbm>>
    tpu.wait_indirect_dma semaphore(%arg11 : memref<!tpu.dma_semaphore, #tpu.memory_space<semaphore_mem>>) src(%dma_wait3A_277 : memref<100000x64xf32, #tpu.memory_space<hbm>>) dst(%dma_wait3A_271 : memref<104x64xf32, #tpu.memory_space<vmem>>)
    %dma_wait3A_278 = arith.constant 127 : i32
    %dma_wait3A_279 = arith.constant 1 : i32
    %dma_wait3A_280 = arith.constant 104 : i32
    %dma_wait3A_281 = arith.constant 0 : i32
    %dma_wait3A_282 = tpu.memref_slice %arg8[%dma_wait3A_279, %dma_wait3A_280, %dma_wait3A_281] : memref<2x200x64xf32, #tpu.memory_space<vmem>> -> memref<1x96x64xf32, #tpu.memory_space<vmem>>
    %dma_wait3A_283 = tpu.memref_squeeze %dma_wait3A_282 : memref<1x96x64xf32, #tpu.memory_space<vmem>> -> memref<96x64xf32, #tpu.memory_space<vmem>>
    %dma_wait3A_284 = arith.constant 104 : i32
    %dma_wait3A_285 = tpu.memref_slice %arg6[%dma_wait3A_278, %dma_wait3A_284] : memref<128x200xi32, #tpu.memory_space<vmem>> -> memref<1x96xi32, #tpu.memory_space<vmem>>
    %dma_wait3A_286 = tpu.memref_squeeze %dma_wait3A_285 : memref<1x96xi32, #tpu.memory_space<vmem>> -> memref<96xi32, #tpu.memory_space<vmem>>
    %dma_wait3A_287 = arith.constant 0 : i32
    %dma_wait3A_288 = arith.constant 0 : i32
    %dma_wait3A_289 = tpu.memref_slice %arg2[%dma_wait3A_287, %dma_wait3A_288] : memref<100000x64xf32, #tpu.memory_space<hbm>> -> memref<100000x64xf32, #tpu.memory_space<hbm>>
    tpu.wait_indirect_dma semaphore(%arg11 : memref<!tpu.dma_semaphore, #tpu.memory_space<semaphore_mem>>) src(%dma_wait3A_289 : memref<100000x64xf32, #tpu.memory_space<hbm>>) dst(%dma_wait3A_283 : memref<96x64xf32, #tpu.memory_space<vmem>>)
    %mul3A_290 = arith.constant 128 : i32
    %mul3A_291 = arith.muli %add3A, %mul3A_290 : i32
    %add3A_292 = arith.constant 125 : i32
    %add3A_293 = arith.addi %mul3A_291, %add3A_292 : i32
    %dma_wait3A_294 = arith.constant 1 : i32
    %dma_wait3A_295 = arith.constant 0 : i32
    %dma_wait3A_296 = arith.constant 0 : i32
    %dma_wait3A_297 = tpu.memref_slice %arg9[%dma_wait3A_294, %dma_wait3A_295, %dma_wait3A_296] : memref<2x200x64xf32, #tpu.memory_space<vmem>> -> memref<1x200x64xf32, #tpu.memory_space<vmem>>
    %dma_wait3A_298 = tpu.memref_squeeze %dma_wait3A_297 : memref<1x200x64xf32, #tpu.memory_space<vmem>> -> memref<200x64xf32, #tpu.memory_space<vmem>>
    %dma_wait3A_299 = arith.constant 0 : i32
    %dma_wait3A_300 = arith.constant 0 : i32
    %dma_wait3A_301 = tpu.memref_slice %arg5[%add3A_293, %dma_wait3A_299, %dma_wait3A_300] : memref<4096x200x128xf32, #tpu.memory_space<hbm>> -> memref<1x200x64xf32, #tpu.memory_space<hbm>>
    %dma_wait3A_302 = tpu.memref_squeeze %dma_wait3A_301 : memref<1x200x64xf32, #tpu.memory_space<hbm>> -> memref<200x64xf32, #tpu.memory_space<hbm>>
    %dma_wait3A_303 = arith.constant 0 : i32
    %dma_wait3A_304 = arith.constant 0 : i32
    %dma_wait3A_305 = tpu.memref_slice %arg5[%add3A_293, %dma_wait3A_303, %dma_wait3A_304] : memref<4096x200x128xf32, #tpu.memory_space<hbm>> -> memref<1x200x64xf32, #tpu.memory_space<hbm>>
    %dma_wait3A_306 = tpu.memref_squeeze %dma_wait3A_305 : memref<1x200x64xf32, #tpu.memory_space<hbm>> -> memref<200x64xf32, #tpu.memory_space<hbm>>
    %dma_wait3A_307 = arith.constant 0 : i32
    %dma_wait3A_308 = arith.constant 0 : i32
    %dma_wait3A_309 = tpu.memref_slice %arg9[%dma_wait3A_294, %dma_wait3A_307, %dma_wait3A_308] : memref<2x200x64xf32, #tpu.memory_space<vmem>> -> memref<1x200x64xf32, #tpu.memory_space<vmem>>
    %dma_wait3A_310 = tpu.memref_squeeze %dma_wait3A_309 : memref<1x200x64xf32, #tpu.memory_space<vmem>> -> memref<200x64xf32, #tpu.memory_space<vmem>>
    tpu.wait_dma2 semaphore(%arg13 : memref<!tpu.dma_semaphore, #tpu.memory_space<semaphore_mem>>) src(%dma_wait3A_310 : memref<200x64xf32, #tpu.memory_space<vmem>>) dst(%dma_wait3A_306 : memref<200x64xf32, #tpu.memory_space<hbm>>)
    %parallel_loop3A_311 = arith.constant 0 : i32
    %parallel_loop3A_312 = arith.constant 200 : i32
    %parallel_loop3A_313 = arith.constant 1 : i32
    scf.for %parallel_loop3A_377 = %parallel_loop3A_311 to %parallel_loop3A_312 step %parallel_loop3A_313  : i32 {
      %parallel_loop3A_378 = arith.constant 1 : i32
      %parallel_loop3A_379 = arith.index_cast %parallel_loop3A_378 : i32 to index
      %parallel_loop3A_380 = arith.index_cast %parallel_loop3A_377 : i32 to index
      %parallel_loop3A_381 = arith.constant 0 : index
      %parallel_loop3A_382 = tpu.vector_load %arg8[%parallel_loop3A_379, %parallel_loop3A_380, %parallel_loop3A_381] {strides = array<i32>} : memref<2x200x64xf32, #tpu.memory_space<vmem>>, vector<1x1x16xf32>,
      %parallel_loop3A_383 = vector.shape_cast %parallel_loop3A_382 : vector<1x1x16xf32> to vector<16xf32>
      %parallel_loop3A_384 = arith.index_cast %parallel_loop3A_377 : i32 to index
      %parallel_loop3A_385 = arith.constant 0 : index
      %parallel_loop3A_386 = tpu.vector_load %arg7[%parallel_loop3A_384, %parallel_loop3A_385] {strides = array<i32>} : memref<200x64xf32, #tpu.memory_space<vmem>>, vector<1x16xf32>,
      %parallel_loop3A_387 = vector.shape_cast %parallel_loop3A_386 : vector<1x16xf32> to vector<16xf32>
      %parallel_loop3A_388 = arith.addf %parallel_loop3A_383, %parallel_loop3A_387 : vector<16xf32>
      %parallel_loop3A_389 = arith.constant 1 : i32
      %parallel_loop3A_390 = arith.index_cast %parallel_loop3A_389 : i32 to index
      %parallel_loop3A_391 = arith.index_cast %parallel_loop3A_377 : i32 to index
      %parallel_loop3A_392 = arith.constant 0 : index
      %parallel_loop3A_393 = tpu.vector_load %arg9[%parallel_loop3A_390, %parallel_loop3A_391, %parallel_loop3A_392] {strides = array<i32>} : memref<2x200x64xf32, #tpu.memory_space<vmem>>, vector<1x1x16xf32>,
      %parallel_loop3A_394 = vector.shape_cast %parallel_loop3A_393 : vector<1x1x16xf32> to vector<16xf32>
      %parallel_loop3A_395 = vector.shape_cast %parallel_loop3A_388 : vector<16xf32> to vector<1x1x16xf32>
      tpu.vector_store %arg9[%parallel_loop3A_390, %parallel_loop3A_391, %parallel_loop3A_392], %parallel_loop3A_395 {strides = array<i32>} : memref<2x200x64xf32, #tpu.memory_space<vmem>>, vector<1x1x16xf32>,
      %parallel_loop3A_396 = arith.constant 1 : i32
      %parallel_loop3A_397 = arith.index_cast %parallel_loop3A_396 : i32 to index
      %parallel_loop3A_398 = arith.index_cast %parallel_loop3A_377 : i32 to index
      %parallel_loop3A_399 = arith.constant 16 : index
      %parallel_loop3A_400 = tpu.vector_load %arg8[%parallel_loop3A_397, %parallel_loop3A_398, %parallel_loop3A_399] {strides = array<i32>} : memref<2x200x64xf32, #tpu.memory_space<vmem>>, vector<1x1x16xf32>,
      %parallel_loop3A_401 = vector.shape_cast %parallel_loop3A_400 : vector<1x1x16xf32> to vector<16xf32>
      %parallel_loop3A_402 = arith.index_cast %parallel_loop3A_377 : i32 to index
      %parallel_loop3A_403 = arith.constant 16 : index
      %parallel_loop3A_404 = tpu.vector_load %arg7[%parallel_loop3A_402, %parallel_loop3A_403] {strides = array<i32>} : memref<200x64xf32, #tpu.memory_space<vmem>>, vector<1x16xf32>,
      %parallel_loop3A_405 = vector.shape_cast %parallel_loop3A_404 : vector<1x16xf32> to vector<16xf32>
      %parallel_loop3A_406 = arith.addf %parallel_loop3A_401, %parallel_loop3A_405 : vector<16xf32>
      %parallel_loop3A_407 = arith.constant 1 : i32
      %parallel_loop3A_408 = arith.index_cast %parallel_loop3A_407 : i32 to index
      %parallel_loop3A_409 = arith.index_cast %parallel_loop3A_377 : i32 to index
      %parallel_loop3A_410 = arith.constant 16 : index
      %parallel_loop3A_411 = tpu.vector_load %arg9[%parallel_loop3A_408, %parallel_loop3A_409, %parallel_loop3A_410] {strides = array<i32>} : memref<2x200x64xf32, #tpu.memory_space<vmem>>, vector<1x1x16xf32>,
      %parallel_loop3A_412 = vector.shape_cast %parallel_loop3A_411 : vector<1x1x16xf32> to vector<16xf32>
      %parallel_loop3A_413 = vector.shape_cast %parallel_loop3A_406 : vector<16xf32> to vector<1x1x16xf32>
      tpu.vector_store %arg9[%parallel_loop3A_408, %parallel_loop3A_409, %parallel_loop3A_410], %parallel_loop3A_413 {strides = array<i32>} : memref<2x200x64xf32, #tpu.memory_space<vmem>>, vector<1x1x16xf32>,
      %parallel_loop3A_414 = arith.constant 1 : i32
      %parallel_loop3A_415 = arith.index_cast %parallel_loop3A_414 : i32 to index
      %parallel_loop3A_416 = arith.index_cast %parallel_loop3A_377 : i32 to index
      %parallel_loop3A_417 = arith.constant 32 : index
      %parallel_loop3A_418 = tpu.vector_load %arg8[%parallel_loop3A_415, %parallel_loop3A_416, %parallel_loop3A_417] {strides = array<i32>} : memref<2x200x64xf32, #tpu.memory_space<vmem>>, vector<1x1x16xf32>,
      %parallel_loop3A_419 = vector.shape_cast %parallel_loop3A_418 : vector<1x1x16xf32> to vector<16xf32>
      %parallel_loop3A_420 = arith.index_cast %parallel_loop3A_377 : i32 to index
      %parallel_loop3A_421 = arith.constant 32 : index
      %parallel_loop3A_422 = tpu.vector_load %arg7[%parallel_loop3A_420, %parallel_loop3A_421] {strides = array<i32>} : memref<200x64xf32, #tpu.memory_space<vmem>>, vector<1x16xf32>,
      %parallel_loop3A_423 = vector.shape_cast %parallel_loop3A_422 : vector<1x16xf32> to vector<16xf32>
      %parallel_loop3A_424 = arith.addf %parallel_loop3A_419, %parallel_loop3A_423 : vector<16xf32>
      %parallel_loop3A_425 = arith.constant 1 : i32
      %parallel_loop3A_426 = arith.index_cast %parallel_loop3A_425 : i32 to index
      %parallel_loop3A_427 = arith.index_cast %parallel_loop3A_377 : i32 to index
      %parallel_loop3A_428 = arith.constant 32 : index
      %parallel_loop3A_429 = tpu.vector_load %arg9[%parallel_loop3A_426, %parallel_loop3A_427, %parallel_loop3A_428] {strides = array<i32>} : memref<2x200x64xf32, #tpu.memory_space<vmem>>, vector<1x1x16xf32>,
      %parallel_loop3A_430 = vector.shape_cast %parallel_loop3A_429 : vector<1x1x16xf32> to vector<16xf32>
      %parallel_loop3A_431 = vector.shape_cast %parallel_loop3A_424 : vector<16xf32> to vector<1x1x16xf32>
      tpu.vector_store %arg9[%parallel_loop3A_426, %parallel_loop3A_427, %parallel_loop3A_428], %parallel_loop3A_431 {strides = array<i32>} : memref<2x200x64xf32, #tpu.memory_space<vmem>>, vector<1x1x16xf32>,
      %parallel_loop3A_432 = arith.constant 1 : i32
      %parallel_loop3A_433 = arith.index_cast %parallel_loop3A_432 : i32 to index
      %parallel_loop3A_434 = arith.index_cast %parallel_loop3A_377 : i32 to index
      %parallel_loop3A_435 = arith.constant 48 : index
      %parallel_loop3A_436 = tpu.vector_load %arg8[%parallel_loop3A_433, %parallel_loop3A_434, %parallel_loop3A_435] {strides = array<i32>} : memref<2x200x64xf32, #tpu.memory_space<vmem>>, vector<1x1x16xf32>,
      %parallel_loop3A_437 = vector.shape_cast %parallel_loop3A_436 : vector<1x1x16xf32> to vector<16xf32>
      %parallel_loop3A_438 = arith.index_cast %parallel_loop3A_377 : i32 to index
      %parallel_loop3A_439 = arith.constant 48 : index
      %parallel_loop3A_440 = tpu.vector_load %arg7[%parallel_loop3A_438, %parallel_loop3A_439] {strides = array<i32>} : memref<200x64xf32, #tpu.memory_space<vmem>>, vector<1x16xf32>,
      %parallel_loop3A_441 = vector.shape_cast %parallel_loop3A_440 : vector<1x16xf32> to vector<16xf32>
      %parallel_loop3A_442 = arith.addf %parallel_loop3A_437, %parallel_loop3A_441 : vector<16xf32>
      %parallel_loop3A_443 = arith.constant 1 : i32
      %parallel_loop3A_444 = arith.index_cast %parallel_loop3A_443 : i32 to index
      %parallel_loop3A_445 = arith.index_cast %parallel_loop3A_377 : i32 to index
      %parallel_loop3A_446 = arith.constant 48 : index
      %parallel_loop3A_447 = tpu.vector_load %arg9[%parallel_loop3A_444, %parallel_loop3A_445, %parallel_loop3A_446] {strides = array<i32>} : memref<2x200x64xf32, #tpu.memory_space<vmem>>, vector<1x1x16xf32>,
      %parallel_loop3A_448 = vector.shape_cast %parallel_loop3A_447 : vector<1x1x16xf32> to vector<16xf32>
      %parallel_loop3A_449 = vector.shape_cast %parallel_loop3A_442 : vector<16xf32> to vector<1x1x16xf32>
      tpu.vector_store %arg9[%parallel_loop3A_444, %parallel_loop3A_445, %parallel_loop3A_446], %parallel_loop3A_449 {strides = array<i32>} : memref<2x200x64xf32, #tpu.memory_space<vmem>>, vector<1x1x16xf32>,
    } {sc.loop_unroll_factor = 4 : i64, sc.parallel_access}
    %mul3A_314 = arith.constant 128 : i32
    %mul3A_315 = arith.muli %add3A, %mul3A_314 : i32
    %add3A_316 = arith.constant 127 : i32
    %add3A_317 = arith.addi %mul3A_315, %add3A_316 : i32
    %dma_start3A_318 = arith.constant 1 : i32
    %dma_start3A_319 = arith.constant 0 : i32
    %dma_start3A_320 = arith.constant 0 : i32
    %dma_start3A_321 = tpu.memref_slice %arg9[%dma_start3A_318, %dma_start3A_319, %dma_start3A_320] : memref<2x200x64xf32, #tpu.memory_space<vmem>> -> memref<1x200x64xf32, #tpu.memory_space<vmem>>
    %dma_start3A_322 = tpu.memref_squeeze %dma_start3A_321 : memref<1x200x64xf32, #tpu.memory_space<vmem>> -> memref<200x64xf32, #tpu.memory_space<vmem>>
    %dma_start3A_323 = arith.constant 0 : i32
    %dma_start3A_324 = arith.constant 0 : i32
    %dma_start3A_325 = tpu.memref_slice %arg5[%add3A_317, %dma_start3A_323, %dma_start3A_324] : memref<4096x200x128xf32, #tpu.memory_space<hbm>> -> memref<1x200x64xf32, #tpu.memory_space<hbm>>
    %dma_start3A_326 = tpu.memref_squeeze %dma_start3A_325 : memref<1x200x64xf32, #tpu.memory_space<hbm>> -> memref<200x64xf32, #tpu.memory_space<hbm>>
    %dma_start3A_327 = arith.constant 0 : i32
    %dma_start3A_328 = arith.constant 0 : i32
    %dma_start3A_329 = tpu.memref_slice %arg5[%add3A_317, %dma_start3A_327, %dma_start3A_328] : memref<4096x200x128xf32, #tpu.memory_space<hbm>> -> memref<1x200x64xf32, #tpu.memory_space<hbm>>
    %dma_start3A_330 = tpu.memref_squeeze %dma_start3A_329 : memref<1x200x64xf32, #tpu.memory_space<hbm>> -> memref<200x64xf32, #tpu.memory_space<hbm>>
    %dma_start3A_331 = arith.constant 0 : i32
    %dma_start3A_332 = arith.constant 0 : i32
    %dma_start3A_333 = tpu.memref_slice %arg9[%dma_start3A_318, %dma_start3A_331, %dma_start3A_332] : memref<2x200x64xf32, #tpu.memory_space<vmem>> -> memref<1x200x64xf32, #tpu.memory_space<vmem>>
    %dma_start3A_334 = tpu.memref_squeeze %dma_start3A_333 : memref<1x200x64xf32, #tpu.memory_space<vmem>> -> memref<200x64xf32, #tpu.memory_space<vmem>>
    tpu.enqueue_dma source(%dma_start3A_334 : memref<200x64xf32, #tpu.memory_space<vmem>>) target(%dma_start3A_330 : memref<200x64xf32, #tpu.memory_space<hbm>>) target_semaphore(%arg13 : memref<!tpu.dma_semaphore, #tpu.memory_space<semaphore_mem>>)
    %mul3A_335 = arith.constant 128 : i32
    %mul3A_336 = arith.muli %add3A, %mul3A_335 : i32
    %add3A_337 = arith.constant 126 : i32
    %add3A_338 = arith.addi %mul3A_336, %add3A_337 : i32
    %dma_wait3A_339 = arith.constant 0 : i32
    %dma_wait3A_340 = arith.constant 0 : i32
    %dma_wait3A_341 = arith.constant 0 : i32
    %dma_wait3A_342 = tpu.memref_slice %arg9[%dma_wait3A_339, %dma_wait3A_340, %dma_wait3A_341] : memref<2x200x64xf32, #tpu.memory_space<vmem>> -> memref<1x200x64xf32, #tpu.memory_space<vmem>>
    %dma_wait3A_343 = tpu.memref_squeeze %dma_wait3A_342 : memref<1x200x64xf32, #tpu.memory_space<vmem>> -> memref<200x64xf32, #tpu.memory_space<vmem>>
    %dma_wait3A_344 = arith.constant 0 : i32
    %dma_wait3A_345 = arith.constant 0 : i32
    %dma_wait3A_346 = tpu.memref_slice %arg5[%add3A_338, %dma_wait3A_344, %dma_wait3A_345] : memref<4096x200x128xf32, #tpu.memory_space<hbm>> -> memref<1x200x64xf32, #tpu.memory_space<hbm>>
    %dma_wait3A_347 = tpu.memref_squeeze %dma_wait3A_346 : memref<1x200x64xf32, #tpu.memory_space<hbm>> -> memref<200x64xf32, #tpu.memory_space<hbm>>
    %dma_wait3A_348 = arith.constant 0 : i32
    %dma_wait3A_349 = arith.constant 0 : i32
    %dma_wait3A_350 = tpu.memref_slice %arg5[%add3A_338, %dma_wait3A_348, %dma_wait3A_349] : memref<4096x200x128xf32, #tpu.memory_space<hbm>> -> memref<1x200x64xf32, #tpu.memory_space<hbm>>
    %dma_wait3A_351 = tpu.memref_squeeze %dma_wait3A_350 : memref<1x200x64xf32, #tpu.memory_space<hbm>> -> memref<200x64xf32, #tpu.memory_space<hbm>>
    %dma_wait3A_352 = arith.constant 0 : i32
    %dma_wait3A_353 = arith.constant 0 : i32
    %dma_wait3A_354 = tpu.memref_slice %arg9[%dma_wait3A_339, %dma_wait3A_352, %dma_wait3A_353] : memref<2x200x64xf32, #tpu.memory_space<vmem>> -> memref<1x200x64xf32, #tpu.memory_space<vmem>>
    %dma_wait3A_355 = tpu.memref_squeeze %dma_wait3A_354 : memref<1x200x64xf32, #tpu.memory_space<vmem>> -> memref<200x64xf32, #tpu.memory_space<vmem>>
    tpu.wait_dma2 semaphore(%arg12 : memref<!tpu.dma_semaphore, #tpu.memory_space<semaphore_mem>>) src(%dma_wait3A_355 : memref<200x64xf32, #tpu.memory_space<vmem>>) dst(%dma_wait3A_351 : memref<200x64xf32, #tpu.memory_space<hbm>>)
    %mul3A_356 = arith.constant 128 : i32
    %mul3A_357 = arith.muli %add3A, %mul3A_356 : i32
    %add3A_358 = arith.constant 127 : i32
    %add3A_359 = arith.addi %mul3A_357, %add3A_358 : i32
    %dma_wait3A_360 = arith.constant 1 : i32
    %dma_wait3A_361 = arith.constant 0 : i32
    %dma_wait3A_362 = arith.constant 0 : i32
    %dma_wait3A_363 = tpu.memref_slice %arg9[%dma_wait3A_360, %dma_wait3A_361, %dma_wait3A_362] : memref<2x200x64xf32, #tpu.memory_space<vmem>> -> memref<1x200x64xf32, #tpu.memory_space<vmem>>
    %dma_wait3A_364 = tpu.memref_squeeze %dma_wait3A_363 : memref<1x200x64xf32, #tpu.memory_space<vmem>> -> memref<200x64xf32, #tpu.memory_space<vmem>>
    %dma_wait3A_365 = arith.constant 0 : i32
    %dma_wait3A_366 = arith.constant 0 : i32
    %dma_wait3A_367 = tpu.memref_slice %arg5[%add3A_359, %dma_wait3A_365, %dma_wait3A_366] : memref<4096x200x128xf32, #tpu.memory_space<hbm>> -> memref<1x200x64xf32, #tpu.memory_space<hbm>>
    %dma_wait3A_368 = tpu.memref_squeeze %dma_wait3A_367 : memref<1x200x64xf32, #tpu.memory_space<hbm>> -> memref<200x64xf32, #tpu.memory_space<hbm>>
    %dma_wait3A_369 = arith.constant 0 : i32
    %dma_wait3A_370 = arith.constant 0 : i32
    %dma_wait3A_371 = tpu.memref_slice %arg5[%add3A_359, %dma_wait3A_369, %dma_wait3A_370] : memref<4096x200x128xf32, #tpu.memory_space<hbm>> -> memref<1x200x64xf32, #tpu.memory_space<hbm>>
    %dma_wait3A_372 = tpu.memref_squeeze %dma_wait3A_371 : memref<1x200x64xf32, #tpu.memory_space<hbm>> -> memref<200x64xf32, #tpu.memory_space<hbm>>
    %dma_wait3A_373 = arith.constant 0 : i32
    %dma_wait3A_374 = arith.constant 0 : i32
    %dma_wait3A_375 = tpu.memref_slice %arg9[%dma_wait3A_360, %dma_wait3A_373, %dma_wait3A_374] : memref<2x200x64xf32, #tpu.memory_space<vmem>> -> memref<1x200x64xf32, #tpu.memory_space<vmem>>
    %dma_wait3A_376 = tpu.memref_squeeze %dma_wait3A_375 : memref<1x200x64xf32, #tpu.memory_space<vmem>> -> memref<200x64xf32, #tpu.memory_space<vmem>>
    tpu.wait_dma2 semaphore(%arg13 : memref<!tpu.dma_semaphore, #tpu.memory_space<semaphore_mem>>) src(%dma_wait3A_376 : memref<200x64xf32, #tpu.memory_space<vmem>>) dst(%dma_wait3A_372 : memref<200x64xf32, #tpu.memory_space<hbm>>)
    return
  }
}

</mosaic_0001>

<sc_bundles>
// kernel: kernel.3.cloned.1.call-start
scs
__scs_entry_jumppad:
0x0: {  	(pc) =	sbr.rel $0x88, $3  }
0x1: {  	(tag) =	ssettag $0x0;
	lr =	simm.s32 $0x1  }
0x2: {  	[smem:$0x3F9D] =	sst lr;
	_ =	strace $0xD0000000  }
0x3: {  	_ = 	snop  }
0x4: {  	_ = 	snop  }
0x5: {  	_ = 	snop  }
0x6: {  	_ = 	snop  }
0x7: {  	_ = 	snop  }
__scs_overlays_trampoline_lowered:
0x8: {  	[smem:$0x3FAC] =	sst s0  }
0x9: {  	[smem:$0x3FAD] =	sst s1  }
0xa: {  	[smem:$0x3FAE] =	sst s2  }
0xb: {  	[smem:$0x3FAF] =	sst s3  }
0xc: {  	[smem:$0x3FB0] =	sst s4  }
0xd: {  	[smem:$0x3FB1] =	sst s5  }
0xe: {  	[smem:$0x3FB2] =	sst s6  }
0xf: {  	[smem:$0x3FB3] =	sst s7  }
0x10: {  	[smem:$0x3FB4] =	sst s8  }
0x11: {  	[smem:$0x3FB5] =	sst s9;
	s0 =	simm.s32 @!p0 $0x0  }
0x12: {  	s1 =	sld [smem:$0x3F9B];
	s0 =	simm.s32 @p0 $0x1  }
0x13: {  	[smem:$0x3FB6] =	sst s0;
	s0 =	simm.s32 @!p1 $0x0  }
0x14: {  	s2 =	sld [smem:$0x3F9A];
	s0 =	simm.s32 @p1 $0x1  }
0x15: {  	[smem:$0x3FB7] =	sst s0;
	s0 =	simm.s32 @!p2 $0x0  }
0x16: {  	s3 =	sld [smem:$0x3FDB];
	s0 =	simm.s32 @p2 $0x1  }
0x17: {  	s4 =	simm.s32 $0x1BF5;
	[smem:$0x3FB9] =	sst s0  }
0x18: {  	s0 =	sld [smem:$0x3F9C];
	_ =	swait.ge [sflag:s4], $0x0  }
0x19: {  	s7 =	sld [smem:$0x3F9D]  }
0x1a: {  	s8 =	sadd.s32 $0xFFFFE003, lr  }
0x1b: {  	s9 =	sadd.s32 $0xFFFFFEF7, lr;
	s5 =	simm.s32 $0xFFFFFFFF;
	p2 =	slt.u32 s8, $0xFFFFF086  }
0x1c: {  	p1 =	slt.u32 s9, $0xF7A;
	s5 =	simm.s32 @!p2 $0x0  }
0x1d: {  	s5 =	simm.s32 @p1 $0x1;
	p0 =	seq.s32 s7, s2  }
0x1e: {  	s7 =	smul.u32 @!p0 $0xF7A, s2;
	p2 =	seq.s32 @!p0 s5, $0x0  }
0x1f: {  	s9 =	smul.u32 $0xF7A, s1;
	s8 =	simm.s32 @!p0 $0x1BF5;
	p2 =	por !p2, p0  }
0x20: {  	[sflag:s8] =	ssyncset.s32 @!p0 $0xFFFFF086;
	s6 =	sadd.s32 @!p0 s3, s7;
	s7 =	simm.s32 @!p0 $0x108  }
0x21: {  	s3 =	sadd.s32 s3, s9;
	s6 =	sadd.s32 @!p0 $0x88, s6;
	s7 =	simm.s32 @p2 $0x1082  }
0x22: {  	[simem:s7], [sflag:s8] =	dma.local @!p0 [hbm:s6], $0xF7A  }
0x23: {  	s9 =	sor.u32 $0xD0000000, s2;
	s6 =	simm.s32 $0x108;
	_ =	swait.ge @!p0 [sflag:s8], $0x0  }
0x24: {  	s3 =	sadd.s32 $0x88, s3;
	s6 =	simm.s32 @!p1 $0x1082;
	[sflag:s4] =	ssyncset.s32 $0xFFFFF086  }
0x25: {  	[simem:s6], [sflag:s4] =	dma.local [hbm:s3], $0xF7A  }
0x26: {  	[smem:$0x3F9D] =	sst s1;
	(tag) =	ssettag s2;
	_ =	strace s9  }
0x27: {  	s1 =	sld [smem:$0x3FAD]  }
0x28: {  	s2 =	sld [smem:$0x3FAE]  }
0x29: {  	s4 =	sld [smem:$0x3FB0]  }
0x2a: {  	p0 =	seq.s32 s5, $0x0;
	s5 =	sld [smem:$0x3FB1]  }
0x2b: {  	s6 =	sld [smem:$0x3FB2]  }
0x2c: {  	s7 =	sld [smem:$0x3FB3]  }
0x2d: {  	s3 =	simm.s32 $0x108;
	s8 =	sld [smem:$0x3FB4]  }
0x2e: {  	s3 =	simm.s32 @!p0 $0x1082;
	s9 =	sld [smem:$0x3FB5]  }
0x2f: {  	lr =	sadd.s32 s0, s3;
	s0 =	sld [smem:$0x3FAC]  }
0x30: {  	s3 =	sld [smem:$0x3FAF]  }
0x31: {  	[smem:$0x3FB8] =	sst s10  }
0x32: {  	s10 =	sld [smem:$0x3FB6];
	_ =	sdelay $0x3  }
0x33: {  	p0 =	seq.s32 s10, $0x1;
	s10 =	sld [smem:$0x3FB8];
	_ =	sdelay $0x3  }
0x34: {  	[smem:$0x3FB8] =	sst s10  }
0x35: {  	s10 =	sld [smem:$0x3FB7];
	_ =	sdelay $0x3  }
0x36: {  	p1 =	seq.s32 s10, $0x1;
	s10 =	sld [smem:$0x3FB8];
	_ =	sdelay $0x3  }
0x37: {  	[smem:$0x3FB8] =	sst s10  }
0x38: {  	s10 =	sld [smem:$0x3FB9]  }
0x39: {  	_ = 	snop;
	(pc) =	sbr.ind lr, $3  }
0x3a: {  	_ = 	snop  }
0x3b: {  	_ = 	snop  }
0x3c: {  	p2 =	seq.s32 s10, $0x1;
	s10 =	sld [smem:$0x3FB8]  }
0x3d: {  	_ =	shalt  }
0x3e: {  	_ =	shalt  }
0x3f: {  	_ =	shalt  }
0x40: {  	_ =	shalt  }
0x41: {  	_ =	shalt  }
0x42: {  	_ =	shalt  }
0x43: {  	_ =	shalt  }
0x44: {  	_ =	shalt  }
0x45: {  	_ =	shalt  }
0x46: {  	_ =	shalt  }
0x47: {  	_ =	shalt  }
0x48: {  	_ =	shalt  }
0x49: {  	_ =	shalt  }
0x4a: {  	_ =	shalt  }
0x4b: {  	_ =	shalt  }
0x4c: {  	_ =	shalt  }
0x4d: {  	_ =	shalt  }
0x4e: {  	_ =	shalt  }
0x4f: {  	_ =	shalt  }
0x50: {  	_ =	shalt  }
0x51: {  	_ =	shalt  }
0x52: {  	_ =	shalt  }
0x53: {  	_ =	shalt  }
0x54: {  	_ =	shalt  }
0x55: {  	_ =	shalt  }
0x56: {  	_ =	shalt  }
0x57: {  	_ =	shalt  }
0x58: {  	_ =	shalt  }
0x59: {  	_ =	shalt  }
0x5a: {  	_ =	shalt  }
0x5b: {  	_ =	shalt  }
0x5c: {  	_ =	shalt  }
0x5d: {  	_ =	shalt  }
0x5e: {  	_ =	shalt  }
0x5f: {  	_ =	shalt  }
0x60: {  	_ =	shalt  }
0x61: {  	_ =	shalt  }
0x62: {  	_ =	shalt  }
0x63: {  	_ =	shalt  }
0x64: {  	_ =	shalt  }
0x65: {  	_ =	shalt  }
0x66: {  	_ =	shalt  }
0x67: {  	_ =	shalt  }
0x68: {  	_ =	shalt  }
0x69: {  	_ =	shalt  }
0x6a: {  	_ =	shalt  }
0x6b: {  	_ =	shalt  }
0x6c: {  	_ =	shalt  }
0x6d: {  	_ =	shalt  }
0x6e: {  	_ =	shalt  }
0x6f: {  	_ =	shalt  }
0x70: {  	_ =	shalt  }
0x71: {  	_ =	shalt  }
0x72: {  	_ =	shalt  }
0x73: {  	_ =	shalt  }
0x74: {  	_ =	shalt  }
0x75: {  	_ =	shalt  }
0x76: {  	_ =	shalt  }
0x77: {  	_ =	shalt  }
0x78: {  	_ =	shalt  }
0x79: {  	_ =	shalt  }
0x7a: {  	_ =	shalt  }
0x7b: {  	_ =	shalt  }
0x7c: {  	_ =	shalt  }
0x7d: {  	_ =	shalt  }
0x7e: {  	_ =	shalt  }
0x7f: {  	_ =	shalt  }
0x80: {  	_ =	shalt  }
0x81: {  	_ =	shalt  }
0x82: {  	_ =	shalt  }
0x83: {  	_ =	shalt  }
0x84: {  	_ =	shalt  }
0x85: {  	_ =	shalt  }
0x86: {  	_ =	shalt  }
0x87: {  	_ =	shalt  }
.Lfunc_end0:
.L_simem_size_0:
called_computation.1_lowered:
.L_overlay_start_0:
0x88: {  	s2 =	sld [smem:$0x3FD9]  }
0x89: {  	s3 =	sld [smem:$0x3FFE];
	_ =	sdelay $0x1  }
0x8a: {  	s1 =	srdreg.scid  }
0x8b: {  	s0 =	sand.u32 $0x1, s1  }
0x8c: {  	s16 =	sshll.u32 s0, $0xA;
	s2 =	sadd.s32 s3, s2  }
0x8d: {  	s2 =	sadd.s32 s2, s16  }
0x8e: {  	[smem:$0x3FC4] =	sst s2  }
0x8f: {  	_ = 	snop  }
0x90: {  	(tm) =	ssettm $0x1  }
0x91: {  	s17 =	sld [smem:$0x3FFB];
	_ =	sdelay $0x3  }
0x92: {  	_ =	strace s17  }
0x93: {  	s2 =	sld [smem:$0x3FFC];
	_ =	sdelay $0x3  }
0x94: {  	_ =	strace s2  }
0x95: {  	s2 =	sld [smem:$0x3FFD];
	_ =	sdelay $0x3  }
0x96: {  	_ =	strace s2  }
0x97: {  	_ =	strace $0x8FFFFFFF  }
0x98: {  	s18 =	sld [smem:$0x3FDB];
	_ =	sdelay $0x1  }
0x99: {  	s19 =	simm.s32 $_scs_section_size  }
0x9a: {  	s4 =	simm.s32 $_size__tile_overlayer_lowered;
	s5 =	simm.s32 $_tile_overlayer_lowered  }
0x9b: {  	s22 =	simm.s32 $0x1BFF;
	s21 =	sshll.u32 s5, $0x1;
	s2 =	sadd.s32 s19, s18  }
0x9c: {  	s6 =	simm.s32 $0x0;
	s20 =	sshll.u32 s4, $0x1;
	s4 =	sadd.s32 s21, s2  }
0x9d: {  	[timem:s6], [sflag:s22] =	dma.local [hbm:s4], s20  }
0x9e: {  	_ =	swait.ge [sflag:s22], s20  }
0x9f: {  	s3 =	ssub.s32 $0x0, s20;
	[sflag:s22] =	ssyncset.done $0x0  }
0xa0: {  	[sflag:s22] =	ssyncadd.s32 s3;
	_ =	sdelay $0x1  }
0xa1: {  	s23 =	simm.s32 $0x1B8B  }
0xa2: {  	_ =	swait.ge [sflag:s23], $0x1  }
0xa3: {  	[sflag:s23] =	ssyncset.done $0x0  }
0xa4: {  	s25 =	simm.s32 $0x1B8E;
	s24 =	sld [smem:$0x3FFE];
	[sflag:s23] =	ssyncadd.s32 $0xFFFFFFFF  }
0xa5: {  	s26 =	simm.s32 $execute0_lowered;
	[smem:$0x3FD2] =	sst s25  }
0xa6: {  	s4 =	sshll.u32 s26, $0x1;
	_ =	strace $0x80000046;
	[dreg:$0x1] =	wrdreg $0xFFFFFFFF  }
0xa7: {  	s28 =	simm.s32 $_size_execute0_lowered;
	s2 =	sadd.s32 s2, s4;
	[dreg:$0x0] =	wrdreg $0x0  }
0xa8: {  	s4 =	sshll.u32 s28, $0x1;
	[dreg:$0x2] =	wrdreg s2  }
0xa9: {  	[dreg:$0x3] =	wrdreg s4  }
0xaa: {  	[dreg:$0x4] =	wrdreg $0xC0  }
0xab: {  	_ =	task [dreg:s6], $0x5FFFF  }
0xac: {  	[dreg:$0x1] =	wrdreg $0xFFFFFFFF  }
0xad: {  	[dreg:$0x0] =	wrdreg $0x60  }
0xae: {  	[dreg:$0x2] =	wrdreg s24  }
0xaf: {  	[dreg:$0x3] =	wrdreg $0x9  }
0xb0: {  	_ =	task.clear_ibuf [dreg:s6], $0x4FFFF;
	_ =	strace $0x90000046  }
0xb1: {  	s29 =	simm.s32 $0x9;
	_ =	strace $0x80000048  }
0xb2: {  	_ =	swait.ge [sflag:s29], $0x1  }
0xb3: {  	[sflag:s29] =	ssyncadd.s32 $0xFFFFFFFF  }
0xb4: {  	_ =	strace $0x90000048  }
0xb5: {  	_ =	sfence  }
0xb6: {  	s30 =	sld [smem:$0x0];
	_ =	sdelay $0x2  }
0xb7: {  	s31 =	sshll.u32 s1, $0xD;
	s1 =	sshrl.u32 s1, $0x2  }
0xb8: {  	s3 =	sand.u32 $0x4000, s31;
	s1 =	sadd.s32 s1, s30  }
0xb9: {  	s0 =	sor.u32 s3, s0;
	s1 =	sshll.u32 s1, $0x11  }
0xba: {  	s0 =	sor.u32 s1, s0  }
0xbb: {  	s0 =	sadd.s32 $0x8F2B, s0  }
0xbc: {  	[sflag:s0] =	ssyncadd.remote.s32 $0x1  }
0xbd: {  	_ =	sfence.sel $0xFFFF  }
0xbe: {  	[dreg:$0x0] =	wrdreg $0xFFFFFFFF;
	(pc) =	sbr.abs _section_cstart, $3  }
0xbf: {  	[dreg:$0x1] =	wrdreg $0xFFFFFFFF  }
0xc0: {  	_ =	task.clear_ibuf [dreg:s6], $0x2FFFF;
	_ =	strace $0x9FFFFFFF  }
0xc1: {  	(tm) =	ssettm $0x7FFFFFFF  }
tec
execute0_lowered:
.L_overlay_start_1:
0x0: {  	(tag) =	ssettag $0x1  }
0x1: {  	s0 =	srdreg.scid;
	s2 =	stileid.u32  }
0x2: {  	s1 =	rddreg [dreg:$0x0];
	s13 =	simm.s32 $0x5;
	s15 =	simm.s32 $0x68  }
0x3: {  	s16 =	simm.s32 $0x9600;
	s17 =	simm.s32 $0x60;
	s18 =	simm.s32 $0xB000  }
0x4: {  	s20 =	simm.s32 $0xC800;
	s22 =	simm.s32 $0xE200;
	s23 =	simm.s32 $0x1  }
0x5: {  	s24 =	simm.s32 $0x40;
	s25 =	simm.s32 $0x80;
	s30 =	simm.s32 $0x2  }
0x6: {  	s31 =	simm.s32 $0x12C00;
	s0 =	sand.u32 $0x1, s0;
	s3 =	sshll.u32 s2, $0x8  }
0x7: {  	s2 =	simm.s32 $0x0;
	s6 =	sadd.s32 $0xA00, s1;
	s4 =	sshll.u32 s0, $0x7  }
0x8: {  	[smem:$0x7FF] =	sst s2;
	s0 =	ssub.s32 $0x2, s0;
	s3 =	sor.u32 s4, s3  }
0x9: {  	_ =	strace $0x80000047;
	s4 =	sadd.s32 $0x1A200, s1;
	s5 =	smul.u32 $0x19, s3  }
0xa: {  	[dreg:$0x2] =	wrdreg s6;
	s8 =	sshrl.u32 s0, $0x1;
	s7 =	smul.u32 $0x6400, s3  }
0xb: {  	s6 =	sadd.s32 $0xDD800, s1;
	s9 =	smul.u32 $0xC80, s3;
	s0 =	ssub.s32 s0, s8  }
0xc: {  	s0 =	smax.u32 s0, $0x1;
	s5 =	sadd.s32 s5, s1;
	s26 =	sshrl.u32 s7, $0x3  }
0xd: {  	s8 =	sadd.s32 s6, s9;
	[dreg:$0x7] =	wrdreg s0;
	s5 =	sadd.s32 $0x1200, s5  }
0xe: {  	s1 =	sadd.s32 s6, s26;
	s28 =	sadd.s32 $0xC80, s8;
	[dreg:$0x3] =	wrdreg s5  }
0xf: {  	s14 =	simm.s32 $0x3;
	[dreg:$0x4] =	wrdreg s28;
	s29 =	sadd.s32 $0x62700, s1  }
0x10: {  	s19 =	simm.s32 $0x4;
	s1 =	sadd.s32 $0x63380, s1;
	[dreg:$0x5] =	wrdreg s29  }
0x11: {  	s21 =	simm.s32 $0x0;
	s26 =	simm.s32 $0xFA00;
	[dreg:$0x6] =	wrdreg s1  }
.LBB2_1:
0x12: {  	s0 =	rddreg [dreg:$0x3]  }
0x13: {  	[tilespmem:s2], [sflag:$0x5] =	stream.linear.gather [hbm4b:s0+s2], $0x6400, $0x38;
	[tilespmem:$0x15E00] =	vst v63  }
0x14: {  	_ =	swait.ge [sflag:s13], $0x6400  }
0x15: {  	[sflag:s13] =	ssyncset.done $0x0  }
0x16: {  	s1 =	simm.s32 $0x6400;
	s12 =	rddreg [dreg:$0x2];
	[sflag:s13] =	ssyncadd.s32 $0xFFFF9C00  }
0x17: {  	[tilespmem:s1], [sflag:$0x5] =	stream.linear.gather [hbm4b:s12+s2], $0x3200, $0x38;
	[tilespmem:$0x15E00] =	vst v63  }
0x18: {  	_ =	swait.ge [sflag:s13], $0x3200  }
0x19: {  	[sflag:s13] =	ssyncset.done $0x0  }
0x1a: {  	[sflag:s13] =	ssyncadd.s32 $0xFFFFCE00  }
0x1b: {  	[tilespmem:s16], [sflag:$0x1] =	stream.indirect.gather [hbm4b:s4+s15], $0x40, s2, s15, $0xb8;
	[tilespmem:$0x15E00] =	vst v63  }
0x1c: {  	_ = 	snop  }
0x1d: {  	[tilespmem:s18], [sflag:$0x1] =	stream.indirect.gather [hbm4b:s4+s17], $0x40, s15, s17, $0xb8;
	[tilespmem:$0x15E00] =	vst v63  }
0x1e: {  	s28 =	simm.s32 $0xC8  }
0x1f: {  	[tilespmem:s20], [sflag:$0x2] =	stream.indirect.gather [hbm4b:s4+s15], $0x40, s28, s15, $0xb8;
	[tilespmem:$0x15E00] =	vst v63  }
0x20: {  	s29 =	simm.s32 $0x130  }
0x21: {  	[tilespmem:s22], [sflag:$0x2] =	stream.indirect.gather [hbm4b:s4+s17], $0x40, s29, s17, $0xb8;
	[tilespmem:$0x15E00] =	vst v63  }
0x22: {  	_ =	swait.ge [sflag:s23], $0x1A00  }
0x23: {  	[sflag:s23] =	ssyncset.done $0x0  }
0x24: {  	[sflag:s23] =	ssyncadd.s32 $0xFFFFE600  }
0x25: {  	_ =	swait.ge [sflag:s23], $0x1800  }
0x26: {  	[sflag:s23] =	ssyncset.done $0x0  }
0x27: {  	s1 =	simm.s32 $0x9680;
	[sflag:s23] =	ssyncadd.s32 $0xFFFFE800  }
0x28: {  	s5 =	simm.s32 $0x6480;
	v0 =	vld [tilespmem:s1+$0x40]  }
0x29: {  	v1 =	vld [tilespmem:s5+$0x40]  }
0x2a: {  	v2 =	vld [tilespmem:s5+$0xFFFFFF80]  }
0x2b: {  	v3 =	vld [tilespmem:s1+$0xFFFFFFC0]  }
0x2c: {  	v4 =	vld [tilespmem:s5+$0xFFFFFFC0]  }
0x2d: {  	v5 =	vld [tilespmem:s1+$0x0]  }
0x2e: {  	v6 =	vld [tilespmem:s5+$0x0];
	v0 =	vadd.f32 v1, v0  }
0x2f: {  	s0 =	simm.s32 $0xFA80;
	v1 =	vld [tilespmem:s1+$0xFFFFFF80]  }
0x30: {  	[tilespmem:s0+$0x40] =	vst v0  }
0x31: {  	v0 =	vadd.f32 v4, v3;
	v3 =	vld [tilespmem:s1+$0x50]  }
0x32: {  	v4 =	vld [tilespmem:s5+$0x50]  }
0x33: {  	[tilespmem:s0+$0xFFFFFFC0] =	vst v0;
	v0 =	vadd.f32 v6, v5  }
0x34: {  	v1 =	vadd.f32 v2, v1;
	v2 =	vld [tilespmem:s1+$0xFFFFFFD0]  }
0x35: {  	v5 =	vld [tilespmem:s5+$0xFFFFFFD0];
	[tilespmem:s0+$0x0] =	vst v0  }
0x36: {  	[tilespmem:s0+$0xFFFFFF80] =	vst v1;
	v0 =	vld [tilespmem:s1+$0x10]  }
0x37: {  	v1 =	vld [tilespmem:s1+$0xFFFFFF90];
	v3 =	vadd.f32 v4, v3  }
0x38: {  	v4 =	vld [tilespmem:s5+$0xFFFFFF90]  }
0x39: {  	v6 =	vld [tilespmem:s5+$0x10];
	[tilespmem:s0+$0x50] =	vst v3  }
0x3a: {  	v2 =	vadd.f32 v5, v2;
	v3 =	vld [tilespmem:s1+$0x60]  }
0x3b: {  	v5 =	vld [tilespmem:s5+$0x60]  }
0x3c: {  	[tilespmem:s0+$0xFFFFFFD0] =	vst v2  }
0x3d: {  	v1 =	vadd.f32 v4, v1;
	v2 =	vld [tilespmem:s1+$0xFFFFFFE0]  }
0x3e: {  	v4 =	vld [tilespmem:s5+$0xFFFFFFE0]  }
0x3f: {  	v0 =	vadd.f32 v6, v0;
	[tilespmem:s0+$0xFFFFFF90] =	vst v1  }
0x40: {  	v6 =	vld [tilespmem:s1+$0xFFFFFFA0];
	v1 =	vadd.f32 v5, v3  }
0x41: {  	[tilespmem:s0+$0x10] =	vst v0;
	v7 =	vld [tilespmem:s5+$0xFFFFFFA0]  }
0x42: {  	v0 =	vld [tilespmem:s1+$0x20];
	[tilespmem:s0+$0x60] =	vst v1  }
0x43: {  	v3 =	vadd.f32 v4, v2;
	v1 =	vld [tilespmem:s1+$0x70]  }
0x44: {  	v2 =	vld [tilespmem:s5+$0x70]  }
0x45: {  	v5 =	vld [tilespmem:s5+$0x20];
	[tilespmem:s0+$0xFFFFFFE0] =	vst v3  }
0x46: {  	s10 =	simm.s32 $0x0;
	v3 =	vld [tilespmem:s1+$0xFFFFFFF0];
	v6 =	vadd.f32 v7, v6  }
0x47: {  	s11 =	simm.s32 $0x9780;
	s9 =	simm.s32 $0x6480;
	s7 =	simm.s32 $0xFA80;
	v4 =	vld [tilespmem:s5+$0xFFFFFFF0]  }
.LBB2_2:
0x48: {  	v7 =	vld [tilespmem:s11+$0x40];
	[tilespmem:s0+$0xFFFFFFA0] =	vst v6;
	s5 =	sadd.s32 $0x100, s5  }
0x49: {  	v6 =	vld [tilespmem:s5+$0x40];
	v1 =	vadd.f32 v2, v1  }
0x4a: {  	v2 =	vld [tilespmem:s5+$0xFFFFFF80];
	v0 =	vadd.f32 v5, v0  }
0x4b: {  	v5 =	vld [tilespmem:s11+$0xFFFFFFC0];
	[tilespmem:s0+$0x70] =	vst v1  }
0x4c: {  	s10 =	sadd.s32 $0x4, s10;
	v1 =	vld [tilespmem:s5+$0xFFFFFFC0];
	v3 =	vadd.f32 v4, v3;
	[tilespmem:s0+$0x20] =	vst v0  }
0x4d: {  	p0 =	slt.u32 s10, $0xC4;
	v0 =	vld [tilespmem:s11+$0x0]  }
0x4e: {  	v4 =	vld [tilespmem:s5+$0x0];
	v6 =	vadd.f32 v6, v7;
	[tilespmem:s0+$0xFFFFFFF0] =	vst v3  }
0x4f: {  	s0 =	sadd.s32 $0x100, s0;
	v3 =	vld [tilespmem:s11+$0xFFFFFF80]  }
0x50: {  	[tilespmem:s0+$0x40] =	vst v6;
	v6 =	vld [tilespmem:s1+$0xFFFFFFB0]  }
0x51: {  	v1 =	vadd.f32 v1, v5;
	v5 =	vld [tilespmem:s11+$0x50]  }
0x52: {  	v7 =	vld [tilespmem:s5+$0x50]  }
0x53: {  	[tilespmem:s0+$0xFFFFFFC0] =	vst v1;
	v0 =	vadd.f32 v4, v0;
	v1 =	vld [tilespmem:s9+$0xFFFFFFB0]  }
0x54: {  	v2 =	vadd.f32 v2, v3;
	v3 =	vld [tilespmem:s11+$0xFFFFFFD0]  }
0x55: {  	v4 =	vld [tilespmem:s5+$0xFFFFFFD0];
	[tilespmem:s0+$0x0] =	vst v0  }
0x56: {  	[tilespmem:s0+$0xFFFFFF80] =	vst v2;
	v0 =	vld [tilespmem:s11+$0x10]  }
0x57: {  	v2 =	vld [tilespmem:s11+$0xFFFFFF90];
	v5 =	vadd.f32 v7, v5  }
0x58: {  	v7 =	vld [tilespmem:s5+$0xFFFFFF90];
	v1 =	vadd.f32 v1, v6  }
0x59: {  	v6 =	vld [tilespmem:s5+$0x10];
	[tilespmem:s0+$0x50] =	vst v5  }
0x5a: {  	v3 =	vadd.f32 v4, v3;
	v4 =	vld [tilespmem:s11+$0x60];
	[tilespmem:s7+$0xFFFFFFB0] =	vst v1  }
0x5b: {  	v1 =	vld [tilespmem:s5+$0x60]  }
0x5c: {  	[tilespmem:s0+$0xFFFFFFD0] =	vst v3;
	v3 =	vld [tilespmem:s1+$0x30];
	s1 =	smov.u32 s11  }
0x5d: {  	v2 =	vadd.f32 v7, v2;
	v5 =	vld [tilespmem:s11+$0xFFFFFFE0]  }
0x5e: {  	v7 =	vld [tilespmem:s5+$0xFFFFFFE0];
	v0 =	vadd.f32 v6, v0  }
0x5f: {  	[tilespmem:s0+$0xFFFFFF90] =	vst v2;
	v6 =	vld [tilespmem:s9+$0x30];
	s9 =	smov.u32 s5  }
0x60: {  	v8 =	vld [tilespmem:s11+$0xFFFFFFA0];
	[tilespmem:s0+$0x10] =	vst v0;
	v1 =	vadd.f32 v1, v4  }
0x61: {  	v4 =	vld [tilespmem:s5+$0xFFFFFFA0]  }
0x62: {  	v0 =	vld [tilespmem:s11+$0x20];
	[tilespmem:s0+$0x60] =	vst v1  }
.Ltmp0:
0x63: {  	v5 =	vadd.f32 v7, v5;
	v1 =	vld [tilespmem:s11+$0x70];
	(pc) =	sbr.rel @p0 .LBB2_2-.Ltmp0, $4  }
0x64: {  	v2 =	vld [tilespmem:s5+$0x70];
	v7 =	vadd.f32 v6, v3  }
0x65: {  	[tilespmem:s0+$0xFFFFFFE0] =	vst v5;
	v5 =	vld [tilespmem:s5+$0x20]  }
0x66: {  	v6 =	vadd.f32 v4, v8;
	v3 =	vld [tilespmem:s11+$0xFFFFFFF0];
	[tilespmem:s7+$0x30] =	vst v7;
	s7 =	smov.u32 s0  }
0x67: {  	s11 =	sadd.s32 $0x100, s11;
	v4 =	vld [tilespmem:s5+$0xFFFFFFF0]  }
0x68: {  	_ =	sdelay $0x1  }
0x69: {  	[tilespmem:s0+$0xFFFFFFA0] =	vst v6;
	v0 =	vadd.f32 v5, v0  }
0x6a: {  	v5 =	vld [tilespmem:s1+$0xFFFFFFB0]  }
0x6b: {  	[tilespmem:s0+$0x20] =	vst v0;
	v0 =	vld [tilespmem:s9+$0xFFFFFFB0]  }
0x6c: {  	v6 =	vld [tilespmem:s1+$0x30]  }
0x6d: {  	v7 =	vld [tilespmem:s9+$0x30];
	_ =	sdelay $0x1  }
0x6e: {  	v1 =	vadd.f32 v2, v1  }
0x6f: {  	v2 =	vadd.f32 v4, v3  }
0x70: {  	[tilespmem:s0+$0x70] =	vst v1;
	v0 =	vadd.f32 v0, v5  }
0x71: {  	[tilespmem:s0+$0xFFFFFFF0] =	vst v2;
	v1 =	vadd.f32 v7, v6  }
0x72: {  	[tilespmem:s7+$0xFFFFFFB0] =	vst v0  }
0x73: {  	[tilespmem:s7+$0x30] =	vst v1  }
0x74: {  	[hbm4b:s8+s24] =	stream.strided.scatter [tilespmem:s26], [sflag:$0x3], $0x3200, s25, s24, $0x38;
	[tilespmem:$0x15E00] =	vst v63  }
0x75: {  	s28 =	simm.s32 $0x190  }
0x76: {  	[tilespmem:s16], [sflag:$0x1] =	stream.indirect.gather [hbm4b:s4+s15], $0x40, s28, s15, $0xb8;
	[tilespmem:$0x15E00] =	vst v63  }
0x77: {  	s29 =	simm.s32 $0x1F8  }
0x78: {  	[tilespmem:s18], [sflag:$0x1] =	stream.indirect.gather [hbm4b:s4+s17], $0x40, s29, s17, $0xb8;
	[tilespmem:$0x15E00] =	vst v63  }
0x79: {  	_ =	swait.ge [sflag:s30], $0x1A00  }
0x7a: {  	[sflag:s30] =	ssyncset.done $0x0  }
0x7b: {  	[sflag:s30] =	ssyncadd.s32 $0xFFFFE600  }
0x7c: {  	_ =	swait.ge [sflag:s30], $0x1800  }
0x7d: {  	[sflag:s30] =	ssyncset.done $0x0  }
0x7e: {  	s1 =	simm.s32 $0xC8F0;
	[sflag:s30] =	ssyncadd.s32 $0xFFFFE800  }
0x7f: {  	s5 =	simm.s32 $0x6480;
	v0 =	vld [tilespmem:s1+$0xFFFFFFD0]  }
0x80: {  	v1 =	vld [tilespmem:s5+$0x40]  }
0x81: {  	v2 =	vld [tilespmem:s5+$0xFFFFFF80]  }
0x82: {  	v3 =	vld [tilespmem:s1+$0xFFFFFF50]  }
0x83: {  	v4 =	vld [tilespmem:s5+$0xFFFFFFC0]  }
0x84: {  	v5 =	vld [tilespmem:s1+$0xFFFFFF90]  }
0x85: {  	v6 =	vld [tilespmem:s5+$0x0];
	v0 =	vadd.f32 v1, v0  }
0x86: {  	s0 =	simm.s32 $0x12CF0;
	v1 =	vld [tilespmem:s1+$0xFFFFFF10]  }
0x87: {  	[tilespmem:s0+$0xFFFFFFD0] =	vst v0  }
0x88: {  	v0 =	vadd.f32 v4, v3;
	v3 =	vld [tilespmem:s1+$0xFFFFFFE0]  }
0x89: {  	v4 =	vld [tilespmem:s5+$0x50]  }
0x8a: {  	[tilespmem:s0+$0xFFFFFF50] =	vst v0;
	v0 =	vadd.f32 v6, v5  }
0x8b: {  	v1 =	vadd.f32 v2, v1;
	v2 =	vld [tilespmem:s1+$0xFFFFFF60]  }
0x8c: {  	v5 =	vld [tilespmem:s5+$0xFFFFFFD0];
	[tilespmem:s0+$0xFFFFFF90] =	vst v0  }
0x8d: {  	[tilespmem:s0+$0xFFFFFF10] =	vst v1;
	v0 =	vld [tilespmem:s1+$0xFFFFFFA0]  }
0x8e: {  	v1 =	vld [tilespmem:s1+$0xFFFFFF20];
	v3 =	vadd.f32 v4, v3  }
0x8f: {  	v4 =	vld [tilespmem:s5+$0xFFFFFF90]  }
0x90: {  	v6 =	vld [tilespmem:s5+$0x10];
	[tilespmem:s0+$0xFFFFFFE0] =	vst v3  }
0x91: {  	v2 =	vadd.f32 v5, v2;
	v3 =	vld [tilespmem:s1+$0xFFFFFFF0]  }
0x92: {  	v5 =	vld [tilespmem:s5+$0x60]  }
0x93: {  	[tilespmem:s0+$0xFFFFFF60] =	vst v2  }
0x94: {  	v1 =	vadd.f32 v4, v1;
	v2 =	vld [tilespmem:s1+$0xFFFFFF70]  }
0x95: {  	v4 =	vld [tilespmem:s5+$0xFFFFFFE0]  }
0x96: {  	v0 =	vadd.f32 v6, v0;
	[tilespmem:s0+$0xFFFFFF20] =	vst v1  }
0x97: {  	v6 =	vld [tilespmem:s1+$0xFFFFFF30];
	v1 =	vadd.f32 v5, v3  }
0x98: {  	[tilespmem:s0+$0xFFFFFFA0] =	vst v0;
	v7 =	vld [tilespmem:s5+$0xFFFFFFA0]  }
0x99: {  	v0 =	vld [tilespmem:s1+$0xFFFFFFB0];
	[tilespmem:s0+$0xFFFFFFF0] =	vst v1  }
0x9a: {  	v3 =	vadd.f32 v4, v2;
	v1 =	vld [tilespmem:s1+$0x0]  }
0x9b: {  	v2 =	vld [tilespmem:s5+$0x70]  }
0x9c: {  	v5 =	vld [tilespmem:s5+$0x20];
	[tilespmem:s0+$0xFFFFFF70] =	vst v3  }
0x9d: {  	s10 =	simm.s32 $0x0;
	v3 =	vld [tilespmem:s1+$0xFFFFFF80];
	v6 =	vadd.f32 v7, v6  }
0x9e: {  	s11 =	simm.s32 $0xC9F0;
	s9 =	simm.s32 $0x6480;
	s7 =	simm.s32 $0x12CF0;
	v4 =	vld [tilespmem:s5+$0xFFFFFFF0]  }
.LBB2_4:
0x9f: {  	v7 =	vld [tilespmem:s11+$0xFFFFFFD0];
	[tilespmem:s0+$0xFFFFFF30] =	vst v6;
	s5 =	sadd.s32 $0x100, s5  }
0xa0: {  	v6 =	vld [tilespmem:s5+$0x40];
	v1 =	vadd.f32 v2, v1  }
0xa1: {  	v2 =	vld [tilespmem:s5+$0xFFFFFF80];
	v0 =	vadd.f32 v5, v0  }
0xa2: {  	v5 =	vld [tilespmem:s11+$0xFFFFFF50];
	[tilespmem:s0+$0x0] =	vst v1  }
0xa3: {  	s10 =	sadd.s32 $0x4, s10;
	v1 =	vld [tilespmem:s5+$0xFFFFFFC0];
	v3 =	vadd.f32 v4, v3;
	[tilespmem:s0+$0xFFFFFFB0] =	vst v0  }
0xa4: {  	p0 =	slt.u32 s10, $0xC4;
	v0 =	vld [tilespmem:s11+$0xFFFFFF90]  }
0xa5: {  	v4 =	vld [tilespmem:s5+$0x0];
	v6 =	vadd.f32 v6, v7;
	[tilespmem:s0+$0xFFFFFF80] =	vst v3  }
0xa6: {  	s0 =	sadd.s32 $0x100, s0;
	v3 =	vld [tilespmem:s11+$0xFFFFFF10]  }
0xa7: {  	[tilespmem:s0+$0xFFFFFFD0] =	vst v6;
	v6 =	vld [tilespmem:s1+$0xFFFFFF40]  }
0xa8: {  	v1 =	vadd.f32 v1, v5;
	v5 =	vld [tilespmem:s11+$0xFFFFFFE0]  }
0xa9: {  	v7 =	vld [tilespmem:s5+$0x50]  }
0xaa: {  	[tilespmem:s0+$0xFFFFFF50] =	vst v1;
	v0 =	vadd.f32 v4, v0;
	v1 =	vld [tilespmem:s9+$0xFFFFFFB0]  }
0xab: {  	v2 =	vadd.f32 v2, v3;
	v3 =	vld [tilespmem:s11+$0xFFFFFF60]  }
0xac: {  	v4 =	vld [tilespmem:s5+$0xFFFFFFD0];
	[tilespmem:s0+$0xFFFFFF90] =	vst v0  }
0xad: {  	[tilespmem:s0+$0xFFFFFF10] =	vst v2;
	v0 =	vld [tilespmem:s11+$0xFFFFFFA0]  }
0xae: {  	v2 =	vld [tilespmem:s11+$0xFFFFFF20];
	v5 =	vadd.f32 v7, v5  }
0xaf: {  	v7 =	vld [tilespmem:s5+$0xFFFFFF90];
	v1 =	vadd.f32 v1, v6  }
0xb0: {  	v6 =	vld [tilespmem:s5+$0x10];
	[tilespmem:s0+$0xFFFFFFE0] =	vst v5  }
0xb1: {  	v3 =	vadd.f32 v4, v3;
	v4 =	vld [tilespmem:s11+$0xFFFFFFF0];
	[tilespmem:s7+$0xFFFFFF40] =	vst v1  }
0xb2: {  	v1 =	vld [tilespmem:s5+$0x60]  }
0xb3: {  	[tilespmem:s0+$0xFFFFFF60] =	vst v3;
	v3 =	vld [tilespmem:s1+$0xFFFFFFC0];
	s1 =	smov.u32 s11  }
0xb4: {  	v2 =	vadd.f32 v7, v2;
	v5 =	vld [tilespmem:s11+$0xFFFFFF70]  }
0xb5: {  	v7 =	vld [tilespmem:s5+$0xFFFFFFE0];
	v0 =	vadd.f32 v6, v0  }
0xb6: {  	[tilespmem:s0+$0xFFFFFF20] =	vst v2;
	v6 =	vld [tilespmem:s9+$0x30];
	s9 =	smov.u32 s5  }
0xb7: {  	v8 =	vld [tilespmem:s11+$0xFFFFFF30];
	[tilespmem:s0+$0xFFFFFFA0] =	vst v0;
	v1 =	vadd.f32 v1, v4  }
0xb8: {  	v4 =	vld [tilespmem:s5+$0xFFFFFFA0]  }
0xb9: {  	v0 =	vld [tilespmem:s11+$0xFFFFFFB0];
	[tilespmem:s0+$0xFFFFFFF0] =	vst v1  }
.Ltmp1:
0xba: {  	v5 =	vadd.f32 v7, v5;
	v1 =	vld [tilespmem:s11+$0x0];
	(pc) =	sbr.rel @p0 .LBB2_4-.Ltmp1, $4  }
0xbb: {  	v2 =	vld [tilespmem:s5+$0x70];
	v7 =	vadd.f32 v6, v3  }
0xbc: {  	[tilespmem:s0+$0xFFFFFF70] =	vst v5;
	v5 =	vld [tilespmem:s5+$0x20]  }
0xbd: {  	v6 =	vadd.f32 v4, v8;
	v3 =	vld [tilespmem:s11+$0xFFFFFF80];
	[tilespmem:s7+$0xFFFFFFC0] =	vst v7;
	s7 =	smov.u32 s0  }
0xbe: {  	s11 =	sadd.s32 $0x100, s11;
	v4 =	vld [tilespmem:s5+$0xFFFFFFF0]  }
0xbf: {  	_ =	sdelay $0x1  }
0xc0: {  	[tilespmem:s0+$0xFFFFFF30] =	vst v6;
	v0 =	vadd.f32 v5, v0  }
0xc1: {  	v59 =	vld [tilespmem:s1+$0xFFFFFF40]  }
0xc2: {  	v60 =	vld [tilespmem:s9+$0xFFFFFFB0];
	[tilespmem:s0+$0xFFFFFFB0] =	vst v0  }
0xc3: {  	v61 =	vld [tilespmem:s1+$0xFFFFFFC0]  }
0xc4: {  	v7 =	vld [tilespmem:s9+$0x30];
	_ =	sdelay $0x1  }
0xc5: {  	v1 =	vadd.f32 v2, v1  }
0xc6: {  	v62 =	vadd.f32 v4, v3  }
0xc7: {  	[tilespmem:s0+$0x0] =	vst v1;
	v0 =	vadd.f32 v60, v59  }
0xc8: {  	[tilespmem:s0+$0xFFFFFF80] =	vst v62;
	v63 =	vadd.f32 v7, v61  }
0xc9: {  	[tilespmem:s7+$0xFFFFFF40] =	vst v0  }
0xca: {  	[tilespmem:s7+$0xFFFFFFC0] =	vst v63  }
0xcb: {  	s0 =	rddreg [dreg:$0x4]  }
0xcc: {  	[hbm4b:s0+s24] =	stream.strided.scatter [tilespmem:s31], [sflag:$0x4], $0x3200, s25, s24, $0x38;
	[tilespmem:$0x15E00] =	vst v63  }
0xcd: {  	s12 =	simm.s32 $0x258  }
0xce: {  	[tilespmem:s20], [sflag:$0x2] =	stream.indirect.gather [hbm4b:s4+s15], $0x40, s12, s15, $0xb8;
	[tilespmem:$0x15E00] =	vst v63  }
0xcf: {  	s29 =	simm.s32 $0x2C0;
	s28 =	simm.s32 $0x1  }
0xd0: {  	[tilespmem:s22], [sflag:$0x2] =	stream.indirect.gather [hbm4b:s4+s17], $0x40, s29, s17, $0xb8;
	[tilespmem:$0x15E00] =	vst v63  }
.LBB2_6:
0xd1: {  	_ =	swait.ge [sflag:s23], $0x1A00  }
0xd2: {  	[sflag:s23] =	ssyncset.done $0x0  }
0xd3: {  	[sflag:s23] =	ssyncadd.s32 $0xFFFFE600  }
0xd4: {  	_ =	swait.ge [sflag:s23], $0x1800  }
0xd5: {  	[sflag:s23] =	ssyncset.done $0x0  }
0xd6: {  	[sflag:s23] =	ssyncadd.s32 $0xFFFFE800  }
0xd7: {  	_ =	swait.ge [sflag:s14], $0x3200  }
0xd8: {  	[sflag:s14] =	ssyncset.done $0x0  }
0xd9: {  	s1 =	simm.s32 $0x9680;
	[sflag:s14] =	ssyncadd.s32 $0xFFFFCE00  }
0xda: {  	s5 =	simm.s32 $0x6480;
	v0 =	vld [tilespmem:s1+$0x40]  }
0xdb: {  	v1 =	vld [tilespmem:s5+$0x40]  }
0xdc: {  	v2 =	vld [tilespmem:s5+$0xFFFFFF80]  }
0xdd: {  	v3 =	vld [tilespmem:s1+$0xFFFFFFC0]  }
0xde: {  	v4 =	vld [tilespmem:s5+$0xFFFFFFC0]  }
0xdf: {  	v5 =	vld [tilespmem:s1+$0x0]  }
0xe0: {  	v6 =	vld [tilespmem:s5+$0x0];
	v0 =	vadd.f32 v1, v0  }
0xe1: {  	s0 =	simm.s32 $0xFA80;
	v1 =	vld [tilespmem:s1+$0xFFFFFF80]  }
0xe2: {  	[tilespmem:s0+$0x40] =	vst v0  }
0xe3: {  	v0 =	vadd.f32 v4, v3;
	v3 =	vld [tilespmem:s1+$0x50]  }
0xe4: {  	v4 =	vld [tilespmem:s5+$0x50]  }
0xe5: {  	[tilespmem:s0+$0xFFFFFFC0] =	vst v0;
	v0 =	vadd.f32 v6, v5  }
0xe6: {  	v1 =	vadd.f32 v2, v1;
	v2 =	vld [tilespmem:s1+$0xFFFFFFD0]  }
0xe7: {  	v5 =	vld [tilespmem:s5+$0xFFFFFFD0];
	[tilespmem:s0+$0x0] =	vst v0  }
0xe8: {  	[tilespmem:s0+$0xFFFFFF80] =	vst v1;
	v0 =	vld [tilespmem:s1+$0x10]  }
0xe9: {  	v1 =	vld [tilespmem:s1+$0xFFFFFF90];
	v3 =	vadd.f32 v4, v3  }
0xea: {  	v4 =	vld [tilespmem:s5+$0xFFFFFF90]  }
0xeb: {  	v6 =	vld [tilespmem:s5+$0x10];
	[tilespmem:s0+$0x50] =	vst v3  }
0xec: {  	v2 =	vadd.f32 v5, v2;
	v3 =	vld [tilespmem:s1+$0x60]  }
0xed: {  	v5 =	vld [tilespmem:s5+$0x60]  }
0xee: {  	[tilespmem:s0+$0xFFFFFFD0] =	vst v2  }
0xef: {  	v1 =	vadd.f32 v4, v1;
	v2 =	vld [tilespmem:s1+$0xFFFFFFE0]  }
0xf0: {  	v4 =	vld [tilespmem:s5+$0xFFFFFFE0]  }
0xf1: {  	v0 =	vadd.f32 v6, v0;
	[tilespmem:s0+$0xFFFFFF90] =	vst v1  }
0xf2: {  	v6 =	vld [tilespmem:s1+$0xFFFFFFA0];
	v1 =	vadd.f32 v5, v3  }
0xf3: {  	[tilespmem:s0+$0x10] =	vst v0;
	v7 =	vld [tilespmem:s5+$0xFFFFFFA0]  }
0xf4: {  	v0 =	vld [tilespmem:s1+$0x20];
	[tilespmem:s0+$0x60] =	vst v1  }
0xf5: {  	v3 =	vadd.f32 v4, v2;
	v1 =	vld [tilespmem:s1+$0x70]  }
0xf6: {  	v2 =	vld [tilespmem:s5+$0x70]  }
0xf7: {  	v5 =	vld [tilespmem:s5+$0x20];
	[tilespmem:s0+$0xFFFFFFE0] =	vst v3  }
0xf8: {  	s10 =	simm.s32 $0x0;
	v3 =	vld [tilespmem:s1+$0xFFFFFFF0];
	v6 =	vadd.f32 v7, v6  }
0xf9: {  	s11 =	simm.s32 $0x9780;
	s9 =	simm.s32 $0x6480;
	s7 =	simm.s32 $0xFA80;
	v4 =	vld [tilespmem:s5+$0xFFFFFFF0]  }
.LBB2_7:
0xfa: {  	v7 =	vld [tilespmem:s11+$0x40];
	[tilespmem:s0+$0xFFFFFFA0] =	vst v6;
	s5 =	sadd.s32 $0x100, s5  }
0xfb: {  	v6 =	vld [tilespmem:s5+$0x40];
	v1 =	vadd.f32 v2, v1  }
0xfc: {  	v2 =	vld [tilespmem:s5+$0xFFFFFF80];
	v0 =	vadd.f32 v5, v0  }
0xfd: {  	v5 =	vld [tilespmem:s11+$0xFFFFFFC0];
	[tilespmem:s0+$0x70] =	vst v1  }
0xfe: {  	s10 =	sadd.s32 $0x4, s10;
	v1 =	vld [tilespmem:s5+$0xFFFFFFC0];
	v3 =	vadd.f32 v4, v3;
	[tilespmem:s0+$0x20] =	vst v0  }
0xff: {  	p0 =	slt.u32 s10, $0xC4;
	v0 =	vld [tilespmem:s11+$0x0]  }
0x100: {  	v4 =	vld [tilespmem:s5+$0x0];
	v6 =	vadd.f32 v6, v7;
	[tilespmem:s0+$0xFFFFFFF0] =	vst v3  }
0x101: {  	s0 =	sadd.s32 $0x100, s0;
	v3 =	vld [tilespmem:s11+$0xFFFFFF80]  }
0x102: {  	[tilespmem:s0+$0x40] =	vst v6;
	v6 =	vld [tilespmem:s1+$0xFFFFFFB0]  }
0x103: {  	v1 =	vadd.f32 v1, v5;
	v5 =	vld [tilespmem:s11+$0x50]  }
0x104: {  	v7 =	vld [tilespmem:s5+$0x50]  }
0x105: {  	[tilespmem:s0+$0xFFFFFFC0] =	vst v1;
	v0 =	vadd.f32 v4, v0;
	v1 =	vld [tilespmem:s9+$0xFFFFFFB0]  }
0x106: {  	v2 =	vadd.f32 v2, v3;
	v3 =	vld [tilespmem:s11+$0xFFFFFFD0]  }
0x107: {  	v4 =	vld [tilespmem:s5+$0xFFFFFFD0];
	[tilespmem:s0+$0x0] =	vst v0  }
0x108: {  	[tilespmem:s0+$0xFFFFFF80] =	vst v2;
	v0 =	vld [tilespmem:s11+$0x10]  }
0x109: {  	v2 =	vld [tilespmem:s11+$0xFFFFFF90];
	v5 =	vadd.f32 v7, v5  }
0x10a: {  	v7 =	vld [tilespmem:s5+$0xFFFFFF90];
	v1 =	vadd.f32 v1, v6  }
0x10b: {  	v6 =	vld [tilespmem:s5+$0x10];
	[tilespmem:s0+$0x50] =	vst v5  }
0x10c: {  	v3 =	vadd.f32 v4, v3;
	v4 =	vld [tilespmem:s11+$0x60];
	[tilespmem:s7+$0xFFFFFFB0] =	vst v1  }
0x10d: {  	v1 =	vld [tilespmem:s5+$0x60]  }
0x10e: {  	[tilespmem:s0+$0xFFFFFFD0] =	vst v3;
	v3 =	vld [tilespmem:s1+$0x30];
	s1 =	smov.u32 s11  }
0x10f: {  	v2 =	vadd.f32 v7, v2;
	v5 =	vld [tilespmem:s11+$0xFFFFFFE0]  }
0x110: {  	v7 =	vld [tilespmem:s5+$0xFFFFFFE0];
	v0 =	vadd.f32 v6, v0  }
0x111: {  	[tilespmem:s0+$0xFFFFFF90] =	vst v2;
	v6 =	vld [tilespmem:s9+$0x30];
	s9 =	smov.u32 s5  }
0x112: {  	v8 =	vld [tilespmem:s11+$0xFFFFFFA0];
	[tilespmem:s0+$0x10] =	vst v0;
	v1 =	vadd.f32 v1, v4  }
0x113: {  	v4 =	vld [tilespmem:s5+$0xFFFFFFA0]  }
0x114: {  	v0 =	vld [tilespmem:s11+$0x20];
	[tilespmem:s0+$0x60] =	vst v1  }
.Ltmp2:
0x115: {  	v5 =	vadd.f32 v7, v5;
	v1 =	vld [tilespmem:s11+$0x70];
	(pc) =	sbr.rel @p0 .LBB2_7-.Ltmp2, $4  }
0x116: {  	v2 =	vld [tilespmem:s5+$0x70];
	v7 =	vadd.f32 v6, v3  }
0x117: {  	[tilespmem:s0+$0xFFFFFFE0] =	vst v5;
	v5 =	vld [tilespmem:s5+$0x20]  }
0x118: {  	v6 =	vadd.f32 v4, v8;
	v3 =	vld [tilespmem:s11+$0xFFFFFFF0];
	[tilespmem:s7+$0x30] =	vst v7;
	s7 =	smov.u32 s0  }
0x119: {  	s11 =	sadd.s32 $0x100, s11;
	v4 =	vld [tilespmem:s5+$0xFFFFFFF0]  }
0x11a: {  	_ =	sdelay $0x1  }
0x11b: {  	[tilespmem:s0+$0xFFFFFFA0] =	vst v6;
	v0 =	vadd.f32 v5, v0  }
0x11c: {  	v5 =	vld [tilespmem:s1+$0xFFFFFFB0]  }
0x11d: {  	[tilespmem:s0+$0x20] =	vst v0;
	v0 =	vld [tilespmem:s9+$0xFFFFFFB0]  }
0x11e: {  	v6 =	vld [tilespmem:s1+$0x30]  }
0x11f: {  	v7 =	vld [tilespmem:s9+$0x30];
	_ =	sdelay $0x1  }
0x120: {  	v1 =	vadd.f32 v2, v1  }
0x121: {  	v2 =	vadd.f32 v4, v3;
	s1 =	sshll.u32 s28, $0x1  }
0x122: {  	s10 =	smul.u32 $0x640, s28;
	[tilespmem:s0+$0x70] =	vst v1;
	s5 =	sadd.s32 s3, s1;
	v0 =	vadd.f32 v0, v5  }
0x123: {  	[tilespmem:s0+$0xFFFFFFF0] =	vst v2;
	s9 =	smul.u32 $0xC80, s5;
	v1 =	vadd.f32 v7, v6  }
0x124: {  	[tilespmem:s7+$0xFFFFFFB0] =	vst v0  }
0x125: {  	s29 =	sshra.s32 s10, $0x2;
	s0 =	sadd.s32 s6, s9;
	[tilespmem:s7+$0x30] =	vst v1  }
0x126: {  	[hbm4b:s0+s24] =	stream.strided.scatter [tilespmem:s26], [sflag:$0x3], $0x3200, s25, s24, $0x38;
	[tilespmem:$0x15E00] =	vst v63  }
0x127: {  	s11 =	sadd.s32 $0x190, s29  }
0x128: {  	[tilespmem:s16], [sflag:$0x1] =	stream.indirect.gather [hbm4b:s4+s15], $0x40, s11, s15, $0xb8;
	[tilespmem:$0x15E00] =	vst v63  }
0x129: {  	s12 =	sadd.s32 $0x1F8, s29  }
0x12a: {  	[tilespmem:s18], [sflag:$0x1] =	stream.indirect.gather [hbm4b:s4+s17], $0x40, s12, s17, $0xb8;
	[tilespmem:$0x15E00] =	vst v63  }
0x12b: {  	_ =	swait.ge [sflag:s30], $0x1A00  }
0x12c: {  	[sflag:s30] =	ssyncset.done $0x0  }
0x12d: {  	[sflag:s30] =	ssyncadd.s32 $0xFFFFE600  }
0x12e: {  	_ =	swait.ge [sflag:s30], $0x1800  }
0x12f: {  	[sflag:s30] =	ssyncset.done $0x0  }
0x130: {  	[sflag:s30] =	ssyncadd.s32 $0xFFFFE800  }
0x131: {  	_ =	swait.ge [sflag:s19], $0x3200  }
0x132: {  	[sflag:s19] =	ssyncset.done $0x0  }
0x133: {  	s0 =	simm.s32 $0xC8F0;
	[sflag:s19] =	ssyncadd.s32 $0xFFFFCE00  }
0x134: {  	s7 =	simm.s32 $0x6480;
	v0 =	vld [tilespmem:s0+$0xFFFFFFD0]  }
0x135: {  	v1 =	vld [tilespmem:s7+$0x40]  }
0x136: {  	v2 =	vld [tilespmem:s7+$0xFFFFFF80]  }
0x137: {  	v3 =	vld [tilespmem:s0+$0xFFFFFF50]  }
0x138: {  	v4 =	vld [tilespmem:s7+$0xFFFFFFC0]  }
0x139: {  	v5 =	vld [tilespmem:s0+$0xFFFFFF90]  }
0x13a: {  	v6 =	vld [tilespmem:s7+$0x0];
	v0 =	vadd.f32 v1, v0  }
0x13b: {  	s5 =	simm.s32 $0x12CF0;
	v1 =	vld [tilespmem:s0+$0xFFFFFF10]  }
0x13c: {  	[tilespmem:s5+$0xFFFFFFD0] =	vst v0  }
0x13d: {  	v0 =	vadd.f32 v4, v3;
	v3 =	vld [tilespmem:s0+$0xFFFFFFE0]  }
0x13e: {  	v4 =	vld [tilespmem:s7+$0x50]  }
0x13f: {  	[tilespmem:s5+$0xFFFFFF50] =	vst v0;
	v0 =	vadd.f32 v6, v5  }
0x140: {  	v1 =	vadd.f32 v2, v1;
	v2 =	vld [tilespmem:s0+$0xFFFFFF60]  }
0x141: {  	v5 =	vld [tilespmem:s7+$0xFFFFFFD0];
	[tilespmem:s5+$0xFFFFFF90] =	vst v0  }
0x142: {  	[tilespmem:s5+$0xFFFFFF10] =	vst v1;
	v0 =	vld [tilespmem:s0+$0xFFFFFFA0]  }
0x143: {  	v1 =	vld [tilespmem:s0+$0xFFFFFF20];
	v3 =	vadd.f32 v4, v3  }
0x144: {  	v4 =	vld [tilespmem:s7+$0xFFFFFF90]  }
0x145: {  	v6 =	vld [tilespmem:s7+$0x10];
	[tilespmem:s5+$0xFFFFFFE0] =	vst v3  }
0x146: {  	v2 =	vadd.f32 v5, v2;
	v3 =	vld [tilespmem:s0+$0xFFFFFFF0]  }
0x147: {  	v5 =	vld [tilespmem:s7+$0x60]  }
0x148: {  	[tilespmem:s5+$0xFFFFFF60] =	vst v2  }
0x149: {  	v1 =	vadd.f32 v4, v1;
	v2 =	vld [tilespmem:s0+$0xFFFFFF70]  }
0x14a: {  	v4 =	vld [tilespmem:s7+$0xFFFFFFE0]  }
0x14b: {  	v0 =	vadd.f32 v6, v0;
	[tilespmem:s5+$0xFFFFFF20] =	vst v1  }
0x14c: {  	v6 =	vld [tilespmem:s0+$0xFFFFFF30];
	v1 =	vadd.f32 v5, v3  }
0x14d: {  	[tilespmem:s5+$0xFFFFFFA0] =	vst v0;
	v7 =	vld [tilespmem:s7+$0xFFFFFFA0]  }
0x14e: {  	v0 =	vld [tilespmem:s0+$0xFFFFFFB0];
	[tilespmem:s5+$0xFFFFFFF0] =	vst v1  }
0x14f: {  	v3 =	vadd.f32 v4, v2;
	v1 =	vld [tilespmem:s0+$0x0]  }
0x150: {  	v2 =	vld [tilespmem:s7+$0x70]  }
0x151: {  	v5 =	vld [tilespmem:s7+$0x20];
	[tilespmem:s5+$0xFFFFFF70] =	vst v3  }
0x152: {  	s10 =	simm.s32 $0x6480;
	v3 =	vld [tilespmem:s0+$0xFFFFFF80];
	v6 =	vadd.f32 v7, v6  }
0x153: {  	s9 =	simm.s32 $0x12CF0;
	s11 =	simm.s32 $0x0;
	s12 =	simm.s32 $0xC9F0;
	v4 =	vld [tilespmem:s7+$0xFFFFFFF0]  }
.LBB2_9:
0x154: {  	v7 =	vld [tilespmem:s12+$0xFFFFFFD0];
	[tilespmem:s5+$0xFFFFFF30] =	vst v6;
	s7 =	sadd.s32 $0x100, s7  }
0x155: {  	v6 =	vld [tilespmem:s7+$0x40];
	v1 =	vadd.f32 v2, v1  }
0x156: {  	v2 =	vld [tilespmem:s7+$0xFFFFFF80];
	v0 =	vadd.f32 v5, v0  }
0x157: {  	v5 =	vld [tilespmem:s12+$0xFFFFFF50];
	[tilespmem:s5+$0x0] =	vst v1  }
0x158: {  	s11 =	sadd.s32 $0x4, s11;
	v1 =	vld [tilespmem:s7+$0xFFFFFFC0];
	v3 =	vadd.f32 v4, v3;
	[tilespmem:s5+$0xFFFFFFB0] =	vst v0  }
0x159: {  	p0 =	slt.u32 s11, $0xC4;
	v0 =	vld [tilespmem:s12+$0xFFFFFF90]  }
0x15a: {  	v4 =	vld [tilespmem:s7+$0x0];
	v6 =	vadd.f32 v6, v7;
	[tilespmem:s5+$0xFFFFFF80] =	vst v3  }
0x15b: {  	s5 =	sadd.s32 $0x100, s5;
	v3 =	vld [tilespmem:s12+$0xFFFFFF10]  }
0x15c: {  	[tilespmem:s5+$0xFFFFFFD0] =	vst v6;
	v6 =	vld [tilespmem:s0+$0xFFFFFF40]  }
0x15d: {  	v1 =	vadd.f32 v1, v5;
	v5 =	vld [tilespmem:s12+$0xFFFFFFE0]  }
0x15e: {  	v7 =	vld [tilespmem:s7+$0x50]  }
0x15f: {  	[tilespmem:s5+$0xFFFFFF50] =	vst v1;
	v0 =	vadd.f32 v4, v0;
	v1 =	vld [tilespmem:s10+$0xFFFFFFB0]  }
0x160: {  	v2 =	vadd.f32 v2, v3;
	v3 =	vld [tilespmem:s12+$0xFFFFFF60]  }
0x161: {  	v4 =	vld [tilespmem:s7+$0xFFFFFFD0];
	[tilespmem:s5+$0xFFFFFF90] =	vst v0  }
0x162: {  	[tilespmem:s5+$0xFFFFFF10] =	vst v2;
	v0 =	vld [tilespmem:s12+$0xFFFFFFA0]  }
0x163: {  	v2 =	vld [tilespmem:s12+$0xFFFFFF20];
	v5 =	vadd.f32 v7, v5  }
0x164: {  	v7 =	vld [tilespmem:s7+$0xFFFFFF90];
	v1 =	vadd.f32 v1, v6  }
0x165: {  	v6 =	vld [tilespmem:s7+$0x10];
	[tilespmem:s5+$0xFFFFFFE0] =	vst v5  }
0x166: {  	v3 =	vadd.f32 v4, v3;
	v4 =	vld [tilespmem:s12+$0xFFFFFFF0];
	[tilespmem:s9+$0xFFFFFF40] =	vst v1  }
0x167: {  	v1 =	vld [tilespmem:s7+$0x60]  }
0x168: {  	[tilespmem:s5+$0xFFFFFF60] =	vst v3;
	v3 =	vld [tilespmem:s0+$0xFFFFFFC0];
	s0 =	smov.u32 s12  }
0x169: {  	v2 =	vadd.f32 v7, v2;
	v5 =	vld [tilespmem:s12+$0xFFFFFF70]  }
0x16a: {  	v7 =	vld [tilespmem:s7+$0xFFFFFFE0];
	v0 =	vadd.f32 v6, v0  }
0x16b: {  	[tilespmem:s5+$0xFFFFFF20] =	vst v2;
	v6 =	vld [tilespmem:s10+$0x30];
	s10 =	smov.u32 s7  }
0x16c: {  	v8 =	vld [tilespmem:s12+$0xFFFFFF30];
	[tilespmem:s5+$0xFFFFFFA0] =	vst v0;
	v1 =	vadd.f32 v1, v4  }
0x16d: {  	v4 =	vld [tilespmem:s7+$0xFFFFFFA0]  }
0x16e: {  	v0 =	vld [tilespmem:s12+$0xFFFFFFB0];
	[tilespmem:s5+$0xFFFFFFF0] =	vst v1  }
.Ltmp3:
0x16f: {  	v5 =	vadd.f32 v7, v5;
	v1 =	vld [tilespmem:s12+$0x0];
	(pc) =	sbr.rel @p0 .LBB2_9-.Ltmp3, $4  }
0x170: {  	v2 =	vld [tilespmem:s7+$0x70];
	v7 =	vadd.f32 v6, v3  }
0x171: {  	[tilespmem:s5+$0xFFFFFF70] =	vst v5;
	v5 =	vld [tilespmem:s7+$0x20]  }
0x172: {  	v6 =	vadd.f32 v4, v8;
	v3 =	vld [tilespmem:s12+$0xFFFFFF80];
	[tilespmem:s9+$0xFFFFFFC0] =	vst v7;
	s9 =	smov.u32 s5  }
0x173: {  	s12 =	sadd.s32 $0x100, s12;
	v4 =	vld [tilespmem:s7+$0xFFFFFFF0]  }
0x174: {  	_ =	sdelay $0x1  }
0x175: {  	[tilespmem:s5+$0xFFFFFF30] =	vst v6;
	v0 =	vadd.f32 v5, v0  }
0x176: {  	v59 =	vld [tilespmem:s0+$0xFFFFFF40]  }
0x177: {  	v60 =	vld [tilespmem:s10+$0xFFFFFFB0];
	[tilespmem:s5+$0xFFFFFFB0] =	vst v0  }
0x178: {  	v61 =	vld [tilespmem:s0+$0xFFFFFFC0]  }
0x179: {  	v7 =	vld [tilespmem:s10+$0x30];
	_ =	sdelay $0x1  }
0x17a: {  	v1 =	vadd.f32 v2, v1  }
0x17b: {  	s11 =	sadd.s32 s1, s3;
	v62 =	vadd.f32 v4, v3  }
0x17c: {  	[tilespmem:s5+$0x0] =	vst v1;
	s0 =	smul.u32 $0xC80, s11;
	v0 =	vadd.f32 v60, v59  }
0x17d: {  	[tilespmem:s5+$0xFFFFFF80] =	vst v62;
	v63 =	vadd.f32 v7, v61  }
0x17e: {  	s28 =	sadd.s32 $0x1, s28;
	s0 =	sadd.s32 s6, s0;
	[tilespmem:s9+$0xFFFFFF40] =	vst v0  }
0x17f: {  	p0 =	sne.s32 s28, $0x3F;
	s0 =	sadd.s32 $0xC80, s0;
	[tilespmem:s9+$0xFFFFFFC0] =	vst v63  }
0x180: {  	[hbm4b:s0+s24] =	stream.strided.scatter [tilespmem:s31], [sflag:$0x4], $0x3200, s25, s24, $0x38;
	[tilespmem:$0x15E00] =	vst v63  }
.Ltmp4:
0x181: {  	_ = 	snop;
	(pc) =	sbr.rel @p0 .LBB2_6-.Ltmp4, $4  }
0x182: {  	s12 =	sadd.s32 $0x258, s29  }
0x183: {  	[tilespmem:s20], [sflag:$0x2] =	stream.indirect.gather [hbm4b:s4+s15], $0x40, s12, s15, $0xb8;
	[tilespmem:$0x15E00] =	vst v63  }
0x184: {  	s29 =	sadd.s32 $0x2C0, s29  }
0x185: {  	[tilespmem:s22], [sflag:$0x2] =	stream.indirect.gather [hbm4b:s4+s17], $0x40, s29, s17, $0xb8;
	[tilespmem:$0x15E00] =	vst v63  }
0x186: {  	_ =	swait.ge [sflag:s23], $0x1A00  }
0x187: {  	[sflag:s23] =	ssyncset.done $0x0  }
0x188: {  	[sflag:s23] =	ssyncadd.s32 $0xFFFFE600  }
0x189: {  	_ =	swait.ge [sflag:s23], $0x1800  }
0x18a: {  	[sflag:s23] =	ssyncset.done $0x0  }
0x18b: {  	[sflag:s23] =	ssyncadd.s32 $0xFFFFE800  }
0x18c: {  	_ =	swait.ge [sflag:s14], $0x3200  }
0x18d: {  	[sflag:s14] =	ssyncset.done $0x0  }
0x18e: {  	s0 =	simm.s32 $0x9680;
	[sflag:s14] =	ssyncadd.s32 $0xFFFFCE00  }
0x18f: {  	s5 =	simm.s32 $0x6480;
	v0 =	vld [tilespmem:s0+$0x40]  }
0x190: {  	v1 =	vld [tilespmem:s5+$0x40]  }
0x191: {  	v2 =	vld [tilespmem:s5+$0xFFFFFF80]  }
0x192: {  	v3 =	vld [tilespmem:s0+$0xFFFFFFC0]  }
0x193: {  	v4 =	vld [tilespmem:s5+$0xFFFFFFC0]  }
0x194: {  	v5 =	vld [tilespmem:s0+$0x0]  }
0x195: {  	v6 =	vld [tilespmem:s5+$0x0];
	v0 =	vadd.f32 v1, v0  }
0x196: {  	s1 =	simm.s32 $0xFA80;
	v1 =	vld [tilespmem:s0+$0xFFFFFF80]  }
0x197: {  	[tilespmem:s1+$0x40] =	vst v0  }
0x198: {  	v0 =	vadd.f32 v4, v3;
	v3 =	vld [tilespmem:s0+$0x50]  }
0x199: {  	v4 =	vld [tilespmem:s5+$0x50]  }
0x19a: {  	[tilespmem:s1+$0xFFFFFFC0] =	vst v0;
	v0 =	vadd.f32 v6, v5  }
0x19b: {  	v1 =	vadd.f32 v2, v1;
	v2 =	vld [tilespmem:s0+$0xFFFFFFD0]  }
0x19c: {  	v5 =	vld [tilespmem:s5+$0xFFFFFFD0];
	[tilespmem:s1+$0x0] =	vst v0  }
0x19d: {  	[tilespmem:s1+$0xFFFFFF80] =	vst v1;
	v0 =	vld [tilespmem:s0+$0x10]  }
0x19e: {  	v1 =	vld [tilespmem:s0+$0xFFFFFF90];
	v3 =	vadd.f32 v4, v3  }
0x19f: {  	v4 =	vld [tilespmem:s5+$0xFFFFFF90]  }
0x1a0: {  	v6 =	vld [tilespmem:s5+$0x10];
	[tilespmem:s1+$0x50] =	vst v3  }
0x1a1: {  	v2 =	vadd.f32 v5, v2;
	v3 =	vld [tilespmem:s0+$0x60]  }
0x1a2: {  	v5 =	vld [tilespmem:s5+$0x60]  }
0x1a3: {  	[tilespmem:s1+$0xFFFFFFD0] =	vst v2  }
0x1a4: {  	v1 =	vadd.f32 v4, v1;
	v2 =	vld [tilespmem:s0+$0xFFFFFFE0]  }
0x1a5: {  	v4 =	vld [tilespmem:s5+$0xFFFFFFE0]  }
0x1a6: {  	v0 =	vadd.f32 v6, v0;
	[tilespmem:s1+$0xFFFFFF90] =	vst v1  }
0x1a7: {  	v6 =	vld [tilespmem:s0+$0xFFFFFFA0];
	v1 =	vadd.f32 v5, v3  }
0x1a8: {  	[tilespmem:s1+$0x10] =	vst v0;
	v7 =	vld [tilespmem:s5+$0xFFFFFFA0]  }
0x1a9: {  	v0 =	vld [tilespmem:s0+$0x20];
	[tilespmem:s1+$0x60] =	vst v1  }
0x1aa: {  	v3 =	vadd.f32 v4, v2;
	v1 =	vld [tilespmem:s0+$0x70]  }
0x1ab: {  	v2 =	vld [tilespmem:s5+$0x70]  }
0x1ac: {  	v5 =	vld [tilespmem:s5+$0x20];
	[tilespmem:s1+$0xFFFFFFE0] =	vst v3  }
0x1ad: {  	s10 =	simm.s32 $0x0;
	v3 =	vld [tilespmem:s0+$0xFFFFFFF0];
	v6 =	vadd.f32 v7, v6  }
0x1ae: {  	s11 =	simm.s32 $0x9780;
	s9 =	simm.s32 $0x6480;
	s7 =	simm.s32 $0xFA80;
	v4 =	vld [tilespmem:s5+$0xFFFFFFF0]  }
.LBB2_12:
0x1af: {  	v7 =	vld [tilespmem:s11+$0x40];
	[tilespmem:s1+$0xFFFFFFA0] =	vst v6;
	s5 =	sadd.s32 $0x100, s5  }
0x1b0: {  	v6 =	vld [tilespmem:s5+$0x40];
	v1 =	vadd.f32 v2, v1  }
0x1b1: {  	v2 =	vld [tilespmem:s5+$0xFFFFFF80];
	v0 =	vadd.f32 v5, v0  }
0x1b2: {  	v5 =	vld [tilespmem:s11+$0xFFFFFFC0];
	[tilespmem:s1+$0x70] =	vst v1  }
0x1b3: {  	s10 =	sadd.s32 $0x4, s10;
	v1 =	vld [tilespmem:s5+$0xFFFFFFC0];
	v3 =	vadd.f32 v4, v3;
	[tilespmem:s1+$0x20] =	vst v0  }
0x1b4: {  	p0 =	slt.u32 s10, $0xC4;
	v0 =	vld [tilespmem:s11+$0x0]  }
0x1b5: {  	v4 =	vld [tilespmem:s5+$0x0];
	v6 =	vadd.f32 v6, v7;
	[tilespmem:s1+$0xFFFFFFF0] =	vst v3  }
0x1b6: {  	s1 =	sadd.s32 $0x100, s1;
	v3 =	vld [tilespmem:s11+$0xFFFFFF80]  }
0x1b7: {  	[tilespmem:s1+$0x40] =	vst v6;
	v6 =	vld [tilespmem:s0+$0xFFFFFFB0]  }
0x1b8: {  	v1 =	vadd.f32 v1, v5;
	v5 =	vld [tilespmem:s11+$0x50]  }
0x1b9: {  	v7 =	vld [tilespmem:s5+$0x50]  }
0x1ba: {  	[tilespmem:s1+$0xFFFFFFC0] =	vst v1;
	v0 =	vadd.f32 v4, v0;
	v1 =	vld [tilespmem:s9+$0xFFFFFFB0]  }
0x1bb: {  	v2 =	vadd.f32 v2, v3;
	v3 =	vld [tilespmem:s11+$0xFFFFFFD0]  }
0x1bc: {  	v4 =	vld [tilespmem:s5+$0xFFFFFFD0];
	[tilespmem:s1+$0x0] =	vst v0  }
0x1bd: {  	[tilespmem:s1+$0xFFFFFF80] =	vst v2;
	v0 =	vld [tilespmem:s11+$0x10]  }
0x1be: {  	v2 =	vld [tilespmem:s11+$0xFFFFFF90];
	v5 =	vadd.f32 v7, v5  }
0x1bf: {  	v7 =	vld [tilespmem:s5+$0xFFFFFF90];
	v1 =	vadd.f32 v1, v6  }
0x1c0: {  	v6 =	vld [tilespmem:s5+$0x10];
	[tilespmem:s1+$0x50] =	vst v5  }
0x1c1: {  	v3 =	vadd.f32 v4, v3;
	v4 =	vld [tilespmem:s11+$0x60];
	[tilespmem:s7+$0xFFFFFFB0] =	vst v1  }
0x1c2: {  	v1 =	vld [tilespmem:s5+$0x60]  }
0x1c3: {  	[tilespmem:s1+$0xFFFFFFD0] =	vst v3;
	v3 =	vld [tilespmem:s0+$0x30];
	s0 =	smov.u32 s11  }
0x1c4: {  	v2 =	vadd.f32 v7, v2;
	v5 =	vld [tilespmem:s11+$0xFFFFFFE0]  }
0x1c5: {  	v7 =	vld [tilespmem:s5+$0xFFFFFFE0];
	v0 =	vadd.f32 v6, v0  }
0x1c6: {  	[tilespmem:s1+$0xFFFFFF90] =	vst v2;
	v6 =	vld [tilespmem:s9+$0x30];
	s9 =	smov.u32 s5  }
0x1c7: {  	v8 =	vld [tilespmem:s11+$0xFFFFFFA0];
	[tilespmem:s1+$0x10] =	vst v0;
	v1 =	vadd.f32 v1, v4  }
0x1c8: {  	v4 =	vld [tilespmem:s5+$0xFFFFFFA0]  }
0x1c9: {  	v0 =	vld [tilespmem:s11+$0x20];
	[tilespmem:s1+$0x60] =	vst v1  }
.Ltmp5:
0x1ca: {  	v5 =	vadd.f32 v7, v5;
	v1 =	vld [tilespmem:s11+$0x70];
	(pc) =	sbr.rel @p0 .LBB2_12-.Ltmp5, $4  }
0x1cb: {  	v2 =	vld [tilespmem:s5+$0x70];
	v7 =	vadd.f32 v6, v3  }
0x1cc: {  	[tilespmem:s1+$0xFFFFFFE0] =	vst v5;
	v5 =	vld [tilespmem:s5+$0x20]  }
0x1cd: {  	v6 =	vadd.f32 v4, v8;
	v3 =	vld [tilespmem:s11+$0xFFFFFFF0];
	[tilespmem:s7+$0x30] =	vst v7;
	s7 =	smov.u32 s1  }
0x1ce: {  	s11 =	sadd.s32 $0x100, s11;
	v4 =	vld [tilespmem:s5+$0xFFFFFFF0]  }
0x1cf: {  	_ =	sdelay $0x1  }
0x1d0: {  	[tilespmem:s1+$0xFFFFFFA0] =	vst v6;
	v0 =	vadd.f32 v5, v0  }
0x1d1: {  	v5 =	vld [tilespmem:s0+$0xFFFFFFB0]  }
0x1d2: {  	[tilespmem:s1+$0x20] =	vst v0;
	v0 =	vld [tilespmem:s9+$0xFFFFFFB0]  }
0x1d3: {  	v6 =	vld [tilespmem:s0+$0x30]  }
0x1d4: {  	v7 =	vld [tilespmem:s9+$0x30];
	_ =	sdelay $0x1  }
0x1d5: {  	v1 =	vadd.f32 v2, v1  }
0x1d6: {  	v2 =	vadd.f32 v4, v3  }
0x1d7: {  	[tilespmem:s1+$0x70] =	vst v1;
	v0 =	vadd.f32 v0, v5  }
0x1d8: {  	[tilespmem:s1+$0xFFFFFFF0] =	vst v2;
	v1 =	vadd.f32 v7, v6  }
0x1d9: {  	[tilespmem:s7+$0xFFFFFFB0] =	vst v0  }
0x1da: {  	[tilespmem:s7+$0x30] =	vst v1  }
0x1db: {  	s29 =	rddreg [dreg:$0x5]  }
0x1dc: {  	[hbm4b:s29+s24] =	stream.strided.scatter [tilespmem:s26], [sflag:$0x3], $0x3200, s25, s24, $0x38;
	[tilespmem:$0x15E00] =	vst v63  }
0x1dd: {  	_ =	swait.ge [sflag:s30], $0x1A00  }
0x1de: {  	[sflag:s30] =	ssyncset.done $0x0  }
0x1df: {  	[sflag:s30] =	ssyncadd.s32 $0xFFFFE600  }
0x1e0: {  	_ =	swait.ge [sflag:s30], $0x1800  }
0x1e1: {  	[sflag:s30] =	ssyncset.done $0x0  }
0x1e2: {  	[sflag:s30] =	ssyncadd.s32 $0xFFFFE800  }
0x1e3: {  	_ =	swait.ge [sflag:s19], $0x3200  }
0x1e4: {  	[sflag:s19] =	ssyncset.done $0x0  }
0x1e5: {  	s0 =	simm.s32 $0xC8F0;
	[sflag:s19] =	ssyncadd.s32 $0xFFFFCE00  }
0x1e6: {  	s5 =	simm.s32 $0x6480;
	v0 =	vld [tilespmem:s0+$0xFFFFFFD0]  }
0x1e7: {  	v1 =	vld [tilespmem:s5+$0x40]  }
0x1e8: {  	v2 =	vld [tilespmem:s5+$0xFFFFFF80]  }
0x1e9: {  	v3 =	vld [tilespmem:s0+$0xFFFFFF50]  }
0x1ea: {  	v4 =	vld [tilespmem:s5+$0xFFFFFFC0]  }
0x1eb: {  	v5 =	vld [tilespmem:s0+$0xFFFFFF90]  }
0x1ec: {  	v6 =	vld [tilespmem:s5+$0x0];
	v0 =	vadd.f32 v1, v0  }
0x1ed: {  	s1 =	simm.s32 $0x12CF0;
	v1 =	vld [tilespmem:s0+$0xFFFFFF10]  }
0x1ee: {  	[tilespmem:s1+$0xFFFFFFD0] =	vst v0  }
0x1ef: {  	v0 =	vadd.f32 v4, v3;
	v3 =	vld [tilespmem:s0+$0xFFFFFFE0]  }
0x1f0: {  	v4 =	vld [tilespmem:s5+$0x50]  }
0x1f1: {  	[tilespmem:s1+$0xFFFFFF50] =	vst v0;
	v0 =	vadd.f32 v6, v5  }
0x1f2: {  	v1 =	vadd.f32 v2, v1;
	v2 =	vld [tilespmem:s0+$0xFFFFFF60]  }
0x1f3: {  	v5 =	vld [tilespmem:s5+$0xFFFFFFD0];
	[tilespmem:s1+$0xFFFFFF90] =	vst v0  }
0x1f4: {  	[tilespmem:s1+$0xFFFFFF10] =	vst v1;
	v0 =	vld [tilespmem:s0+$0xFFFFFFA0]  }
0x1f5: {  	v1 =	vld [tilespmem:s0+$0xFFFFFF20];
	v3 =	vadd.f32 v4, v3  }
0x1f6: {  	v4 =	vld [tilespmem:s5+$0xFFFFFF90]  }
0x1f7: {  	v6 =	vld [tilespmem:s5+$0x10];
	[tilespmem:s1+$0xFFFFFFE0] =	vst v3  }
0x1f8: {  	v2 =	vadd.f32 v5, v2;
	v3 =	vld [tilespmem:s0+$0xFFFFFFF0]  }
0x1f9: {  	v5 =	vld [tilespmem:s5+$0x60]  }
0x1fa: {  	[tilespmem:s1+$0xFFFFFF60] =	vst v2  }
0x1fb: {  	v1 =	vadd.f32 v4, v1;
	v2 =	vld [tilespmem:s0+$0xFFFFFF70]  }
0x1fc: {  	v4 =	vld [tilespmem:s5+$0xFFFFFFE0]  }
0x1fd: {  	v0 =	vadd.f32 v6, v0;
	[tilespmem:s1+$0xFFFFFF20] =	vst v1  }
0x1fe: {  	v6 =	vld [tilespmem:s0+$0xFFFFFF30];
	v1 =	vadd.f32 v5, v3  }
0x1ff: {  	[tilespmem:s1+$0xFFFFFFA0] =	vst v0;
	v7 =	vld [tilespmem:s5+$0xFFFFFFA0]  }
0x200: {  	v0 =	vld [tilespmem:s0+$0xFFFFFFB0];
	[tilespmem:s1+$0xFFFFFFF0] =	vst v1  }
0x201: {  	v3 =	vadd.f32 v4, v2;
	v1 =	vld [tilespmem:s0+$0x0]  }
0x202: {  	v2 =	vld [tilespmem:s5+$0x70]  }
0x203: {  	v5 =	vld [tilespmem:s5+$0x20];
	[tilespmem:s1+$0xFFFFFF70] =	vst v3  }
0x204: {  	s10 =	simm.s32 $0x0;
	v3 =	vld [tilespmem:s0+$0xFFFFFF80];
	v6 =	vadd.f32 v7, v6  }
0x205: {  	s11 =	simm.s32 $0xC9F0;
	s9 =	simm.s32 $0x6480;
	s7 =	simm.s32 $0x12CF0;
	v4 =	vld [tilespmem:s5+$0xFFFFFFF0]  }
.LBB2_14:
0x206: {  	v7 =	vld [tilespmem:s11+$0xFFFFFFD0];
	[tilespmem:s1+$0xFFFFFF30] =	vst v6;
	s5 =	sadd.s32 $0x100, s5  }
0x207: {  	v6 =	vld [tilespmem:s5+$0x40];
	v1 =	vadd.f32 v2, v1  }
0x208: {  	v2 =	vld [tilespmem:s5+$0xFFFFFF80];
	v0 =	vadd.f32 v5, v0  }
0x209: {  	v5 =	vld [tilespmem:s11+$0xFFFFFF50];
	[tilespmem:s1+$0x0] =	vst v1  }
0x20a: {  	s10 =	sadd.s32 $0x4, s10;
	v1 =	vld [tilespmem:s5+$0xFFFFFFC0];
	v3 =	vadd.f32 v4, v3;
	[tilespmem:s1+$0xFFFFFFB0] =	vst v0  }
0x20b: {  	p0 =	slt.u32 s10, $0xC4;
	v0 =	vld [tilespmem:s11+$0xFFFFFF90]  }
0x20c: {  	v4 =	vld [tilespmem:s5+$0x0];
	v6 =	vadd.f32 v6, v7;
	[tilespmem:s1+$0xFFFFFF80] =	vst v3  }
0x20d: {  	s1 =	sadd.s32 $0x100, s1;
	v3 =	vld [tilespmem:s11+$0xFFFFFF10]  }
0x20e: {  	[tilespmem:s1+$0xFFFFFFD0] =	vst v6;
	v6 =	vld [tilespmem:s0+$0xFFFFFF40]  }
0x20f: {  	v1 =	vadd.f32 v1, v5;
	v5 =	vld [tilespmem:s11+$0xFFFFFFE0]  }
0x210: {  	v7 =	vld [tilespmem:s5+$0x50]  }
0x211: {  	[tilespmem:s1+$0xFFFFFF50] =	vst v1;
	v0 =	vadd.f32 v4, v0;
	v1 =	vld [tilespmem:s9+$0xFFFFFFB0]  }
0x212: {  	v2 =	vadd.f32 v2, v3;
	v3 =	vld [tilespmem:s11+$0xFFFFFF60]  }
0x213: {  	v4 =	vld [tilespmem:s5+$0xFFFFFFD0];
	[tilespmem:s1+$0xFFFFFF90] =	vst v0  }
0x214: {  	[tilespmem:s1+$0xFFFFFF10] =	vst v2;
	v0 =	vld [tilespmem:s11+$0xFFFFFFA0]  }
0x215: {  	v2 =	vld [tilespmem:s11+$0xFFFFFF20];
	v5 =	vadd.f32 v7, v5  }
0x216: {  	v7 =	vld [tilespmem:s5+$0xFFFFFF90];
	v1 =	vadd.f32 v1, v6  }
0x217: {  	v6 =	vld [tilespmem:s5+$0x10];
	[tilespmem:s1+$0xFFFFFFE0] =	vst v5  }
0x218: {  	v3 =	vadd.f32 v4, v3;
	v4 =	vld [tilespmem:s11+$0xFFFFFFF0];
	[tilespmem:s7+$0xFFFFFF40] =	vst v1  }
0x219: {  	v1 =	vld [tilespmem:s5+$0x60]  }
0x21a: {  	[tilespmem:s1+$0xFFFFFF60] =	vst v3;
	v3 =	vld [tilespmem:s0+$0xFFFFFFC0];
	s0 =	smov.u32 s11  }
0x21b: {  	v2 =	vadd.f32 v7, v2;
	v5 =	vld [tilespmem:s11+$0xFFFFFF70]  }
0x21c: {  	v7 =	vld [tilespmem:s5+$0xFFFFFFE0];
	v0 =	vadd.f32 v6, v0  }
0x21d: {  	[tilespmem:s1+$0xFFFFFF20] =	vst v2;
	v6 =	vld [tilespmem:s9+$0x30];
	s9 =	smov.u32 s5  }
0x21e: {  	v8 =	vld [tilespmem:s11+$0xFFFFFF30];
	[tilespmem:s1+$0xFFFFFFA0] =	vst v0;
	v1 =	vadd.f32 v1, v4  }
0x21f: {  	v4 =	vld [tilespmem:s5+$0xFFFFFFA0]  }
0x220: {  	v0 =	vld [tilespmem:s11+$0xFFFFFFB0];
	[tilespmem:s1+$0xFFFFFFF0] =	vst v1  }
.Ltmp6:
0x221: {  	v5 =	vadd.f32 v7, v5;
	v1 =	vld [tilespmem:s11+$0x0];
	(pc) =	sbr.rel @p0 .LBB2_14-.Ltmp6, $4  }
0x222: {  	v2 =	vld [tilespmem:s5+$0x70];
	v7 =	vadd.f32 v6, v3  }
0x223: {  	[tilespmem:s1+$0xFFFFFF70] =	vst v5;
	v5 =	vld [tilespmem:s5+$0x20]  }
0x224: {  	v6 =	vadd.f32 v4, v8;
	v3 =	vld [tilespmem:s11+$0xFFFFFF80];
	[tilespmem:s7+$0xFFFFFFC0] =	vst v7;
	s7 =	smov.u32 s1  }
0x225: {  	s11 =	sadd.s32 $0x100, s11;
	v4 =	vld [tilespmem:s5+$0xFFFFFFF0]  }
0x226: {  	_ =	sdelay $0x1  }
0x227: {  	[tilespmem:s1+$0xFFFFFF30] =	vst v6;
	v0 =	vadd.f32 v5, v0  }
0x228: {  	v59 =	vld [tilespmem:s0+$0xFFFFFF40]  }
0x229: {  	v60 =	vld [tilespmem:s9+$0xFFFFFFB0];
	[tilespmem:s1+$0xFFFFFFB0] =	vst v0  }
0x22a: {  	v61 =	vld [tilespmem:s0+$0xFFFFFFC0]  }
0x22b: {  	v7 =	vld [tilespmem:s9+$0x30];
	_ =	sdelay $0x1  }
0x22c: {  	v1 =	vadd.f32 v2, v1  }
0x22d: {  	v62 =	vadd.f32 v4, v3  }
0x22e: {  	[tilespmem:s1+$0x0] =	vst v1;
	v0 =	vadd.f32 v60, v59  }
0x22f: {  	[tilespmem:s1+$0xFFFFFF80] =	vst v62;
	v63 =	vadd.f32 v7, v61  }
0x230: {  	[tilespmem:s7+$0xFFFFFF40] =	vst v0  }
0x231: {  	[tilespmem:s7+$0xFFFFFFC0] =	vst v63  }
0x232: {  	s28 =	rddreg [dreg:$0x6]  }
0x233: {  	[hbm4b:s28+s24] =	stream.strided.scatter [tilespmem:s31], [sflag:$0x4], $0x3200, s25, s24, $0x38;
	[tilespmem:$0x15E00] =	vst v63  }
0x234: {  	_ =	swait.ge [sflag:s14], $0x3200  }
0x235: {  	[sflag:s14] =	ssyncset.done $0x0  }
0x236: {  	[sflag:s14] =	ssyncadd.s32 $0xFFFFCE00  }
0x237: {  	_ =	swait.ge [sflag:s19], $0x3200  }
0x238: {  	s21 =	sadd.s32 $0x1, s21;
	s29 =	rddreg [dreg:$0x7]  }
0x239: {  	p0 =	sne.s32 s21, s29  }
.Ltmp7:
0x23a: {  	_ = 	snop;
	(pc) =	sbr.rel @p0 .LBB2_1-.Ltmp7, $3  }
0x23b: {  	_ =	sdelay $0x1  }
0x23c: {  	[sflag:s19] =	ssyncset.done $0x0  }
0x23d: {  	[sflag:s19] =	ssyncadd.s32 $0xFFFFCE00  }
0x23e: {  	_ =	sfence.sel $0x180000  }
0x23f: {  	[bflag:$0x0] =	sbarrier.arrive $0xFFFF  }
0x240: {  	_ =	strace $0x90000047  }
0x241: {  	s0 =	stileid.u32;
	[bflag:$0x2] =	sbarrier.arrive $0xFFFF  }
0x242: {  	p0 =	sne.s32 s0, $0x0;
	s0 =	rddreg [dreg:$0x1]  }
0x243: {  	s0 =	sadd.s32 @!p0 $0x100000, s0  }
0x244: {  	[sflag:s0] =	ssyncadd.tile.s32 @!p0 $0x1;
	_ =	shalt  }
.Lfunc_end2:
_tile_overlayer_lowered:
.L_overlay_start_2:
0x245: {  	(tag) =	ssettag $0x2  }
0x246: {  	s0 =	rddreg [dreg:$0x0];
	s2 =	stileid.u32  }
0x247: {  	s1 =	rddreg [dreg:$0x1];
	p0 =	sne.s32 s2, $0x0  }
0x248: {  	s3 =	rddreg [dreg:$0x2];
	[bflag:$0x3] =	sbarrier.arrive $0xFFFF;
	s2 =	simm.s32 @!p0 $0x1C05  }
0x249: {  	[timem:s3], [sflag:s2] =	dma.local @!p0 [hbm:s0], s1  }
0x24a: {  	s0 =	simm.s32 @!p0 $0x5  }
0x24b: {  	_ =	swait.ge @!p0 [sflag:s0], s1  }
0x24c: {  	s1 =	ssub.s32 @!p0 $0x0, s1;
	[sflag:s0] =	ssyncset.done @!p0 $0x0  }
0x24d: {  	[sflag:s0] =	ssyncadd.s32 @!p0 s1  }
0x24e: {  	[bflag:$0x3] =	sbarrier.arrive $0xFFFF  }
0x24f: {  	_ =	shalt  }

// kernel: sparse-core-data-format-call.cloned.1.call-start
scs
called_computation_lowered:
.L_overlay_start_0:
0x0: {  	s2 =	sld [smem:$0x3FD9]  }
0x1: {  	s3 =	sld [smem:$0x3FFE];
	_ =	sdelay $0x1  }
0x2: {  	s1 =	srdreg.scid  }
0x3: {  	s0 =	sand.u32 $0x1, s1  }
0x4: {  	s18 =	sshll.u32 s0, $0xA;
	s2 =	sadd.s32 s3, s2  }
0x5: {  	s2 =	sadd.s32 s2, s18  }
0x6: {  	[smem:$0x3FC4] =	sst s2  }
0x7: {  	_ = 	snop  }
0x8: {  	s2 =	sld [smem:$0x3FD0];
	(tm) =	ssettm $0x1  }
0x9: {  	s19 =	sld [smem:$0x3FFB];
	_ =	sdelay $0x3  }
0xa: {  	_ =	strace s19  }
0xb: {  	s3 =	sld [smem:$0x3FFC];
	_ =	sdelay $0x3  }
0xc: {  	_ =	strace s3  }
0xd: {  	s3 =	sld [smem:$0x3FFD];
	_ =	sdelay $0x3  }
0xe: {  	_ =	strace s3  }
0xf: {  	_ =	strace $0x8FFFFFFF  }
0x10: {  	s20 =	sld [smem:$0x3FDB];
	_ =	sdelay $0x1  }
0x11: {  	s4 =	simm.s32 $_scs_section_size  }
0x12: {  	s5 =	simm.s32 $_size__tile_overlayer_lowered;
	s6 =	simm.s32 $_tile_overlayer_lowered  }
0x13: {  	s23 =	simm.s32 $0x1BFF;
	s22 =	sshll.u32 s6, $0x1;
	s3 =	sadd.s32 s4, s20  }
0x14: {  	s7 =	simm.s32 $0x0;
	s21 =	sshll.u32 s5, $0x1;
	s5 =	sadd.s32 s22, s3  }
0x15: {  	[timem:s7], [sflag:s23] =	dma.local [hbm:s5], s21  }
0x16: {  	_ =	swait.ge [sflag:s23], s21  }
0x17: {  	s4 =	ssub.s32 $0x0, s21;
	[sflag:s23] =	ssyncset.done $0x0  }
0x18: {  	[sflag:s23] =	ssyncadd.s32 s4;
	_ =	sdelay $0x1  }
0x19: {  	s24 =	simm.s32 $0x1B8B  }
0x1a: {  	_ =	swait.ge [sflag:s24], $0x1  }
0x1b: {  	[sflag:s24] =	ssyncset.done $0x0  }
0x1c: {  	s26 =	simm.s32 $0x1B8E;
	s25 =	sld [smem:$0x3FFE];
	[sflag:s24] =	ssyncadd.s32 $0xFFFFFFFF  }
0x1d: {  	s27 =	simm.s32 $execute0_lowered;
	[smem:$0x3FD2] =	sst s26  }
0x1e: {  	s5 =	sshll.u32 s27, $0x1;
	_ =	strace $0x80000049;
	[dreg:$0x1] =	wrdreg $0xFFFFFFFF  }
0x1f: {  	s28 =	simm.s32 $_size_execute0_lowered;
	s3 =	sadd.s32 s3, s5;
	[dreg:$0x0] =	wrdreg $0x0  }
0x20: {  	s5 =	sshll.u32 s28, $0x1;
	[dreg:$0x2] =	wrdreg s3  }
0x21: {  	[dreg:$0x3] =	wrdreg s5  }
0x22: {  	[dreg:$0x4] =	wrdreg $0xC0  }
0x23: {  	_ =	task [dreg:s7], $0x5FFFF  }
0x24: {  	[dreg:$0x1] =	wrdreg $0xFFFFFFFF  }
0x25: {  	[dreg:$0x0] =	wrdreg $0x60  }
0x26: {  	[dreg:$0x2] =	wrdreg s25  }
0x27: {  	[dreg:$0x3] =	wrdreg s2  }
0x28: {  	[dreg:$0x4] =	wrdreg $0x9  }
0x29: {  	_ =	task.clear_ibuf [dreg:s7], $0x5FFFF;
	_ =	strace $0x90000049  }
0x2a: {  	s29 =	simm.s32 $0x9;
	_ =	strace $0x8000004B  }
0x2b: {  	_ =	swait.ge [sflag:s29], $0x1  }
0x2c: {  	[sflag:s29] =	ssyncadd.s32 $0xFFFFFFFF  }
0x2d: {  	_ =	strace $0x9000004B  }
0x2e: {  	_ =	sfence  }
0x2f: {  	s30 =	sld [smem:$0x0];
	_ =	sdelay $0x2  }
0x30: {  	s31 =	sshll.u32 s1, $0xD;
	s1 =	sshrl.u32 s1, $0x2  }
0x31: {  	s3 =	sand.u32 $0x4000, s31;
	s1 =	sadd.s32 s1, s30  }
0x32: {  	s0 =	sor.u32 s3, s0;
	s1 =	sshll.u32 s1, $0x11  }
0x33: {  	s0 =	sor.u32 s1, s0  }
0x34: {  	s0 =	sadd.s32 $0x8F2B, s0  }
0x35: {  	[sflag:s0] =	ssyncadd.remote.s32 $0x1  }
0x36: {  	_ =	sfence.sel $0xFFFF  }
0x37: {  	[dreg:$0x0] =	wrdreg $0xFFFFFFFF;
	(pc) =	sbr.abs _section_cstart, $3  }
0x38: {  	[dreg:$0x1] =	wrdreg $0xFFFFFFFF  }
0x39: {  	_ =	task.clear_ibuf [dreg:s7], $0x2FFFF;
	_ =	strace $0x9FFFFFFF  }
0x3a: {  	(tm) =	ssettm $0x7FFFFFFF  }
0x3b: {  	_ =	shalt  }
tec
execute0_lowered:
.L_overlay_start_1:
0x0: {  	(tag) =	ssettag $0x1  }
0x1: {  	s0 =	srdreg.scid  }
0x2: {  	s1 =	sshll.u32 s0, $0x4  }
0x3: {  	s0 =	stileid.u32;
	s1 =	sand.u32 $0x10, s1  }
0x4: {  	s1 =	sor.u32 s0, s1  }
0x5: {  	s6 =	rddreg [dreg:$0x0];
	s4 =	simm.s32 $0x1;
	s2 =	sshll.u32 s1, $0x7  }
0x6: {  	s7 =	simm.s32 $0x2;
	s12 =	simm.s32 $0x0;
	s1 =	ssub.s32 $0x1000, s2  }
0x7: {  	s8 =	simm.s32 $0x8000;
	s13 =	simm.s32 $0x0;
	s3 =	sand.u32 $0xF80, s1  }
0x8: {  	s9 =	simm.s32 $0x0;
	s5 =	sshrl.u32 s1, $0xC;
	p0 =	sne.s32 s3, $0x0  }
.Ltmp0:
0x9: {  	s1 =	rddreg [dreg:$0x2];
	s4 =	simm.s32 @!p0 $0x0;
	(pc) =	sbr.rel .LBB1_1-.Ltmp0, $4  }
0xa: {  	s11 =	simm.s32 $0x0;
	s3 =	rddreg [dreg:$0x1];
	s5 =	sadd.s32 s4, s5  }
0xb: {  	_ =	strace $0x8000004A;
	s4 =	simm.s32 $0x1;
	s5 =	smul.u32 $0xC8, s5  }
0xc: {  	s6 =	sadd.s32 $0xDD800, s6;
	s10 =	smov.u32 s2;
	[sflag:s4] =	ssyncpa.u1 $0x0  }
0xd: {  	p0 =	por $0x0, $0x0;
	[sflag:s7] =	ssyncpa.u1 $0x0;
	s7 =	sor.u32 $0x1, s5  }
.LBB1_4:
0xe: {  	s16 =	sshll.u32 s13, $0x3;
	s17 =	sand.u32 $0x78, s13  }
0xf: {  	s30 =	sand.u32 $0x7E00, s13;
	s12 =	sshll.u32 s12, $0xF;
	s16 =	sand.u32 $0xC00, s16  }
0x10: {  	[tilespmem:s15+$0x810 ss:$0x81] =	vst.msk $0xffff, v2;
	s31 =	sand.u32 $0x7, s13;
	s16 =	sor.u32 s17, s16;
	s17 =	sadd.s32 s3, s30  }
0x11: {  	[tilespmem:s15+$0x1020 ss:$0x81] =	vst.msk $0xffff, v0;
	s13 =	sshll.u32 s31, $0x12;
	s12 =	sadd.s32 s12, s17;
	s16 =	sshrl.u32 s16, $0x3  }
0x12: {  	[tilespmem:s15+$0x0 ss:$0x81] =	vst.msk $0xffff, v1;
	s13 =	sor.u32 $0x400, s13;
	s12 =	sadd.s32 s16, s12  }
0x13: {  	[hbm4b:s12+s13] =	stream.strided.scatter [tilespmem:s14], [sflag:$0x2], $0x2000, s8, s13, $0x20;
	[tilespmem:$0x8080] =	vst v63  }
.LBB1_5:
0x14: {  	s14 =	sadd.s32 $0x1, s9  }
0x15: {  	s12 =	sadd.s32 $0x1000, s10;
	s16 =	smov.u32 s10;
	p2 =	sgt.s32 s14, $0xC7  }
0x16: {  	s16 =	smov.u32 @p2 s12  }
0x17: {  	s14 =	simm.s32 @p2 $0x0;
	p2 =	sgt.s32 s16, $0xFFF  }
0x18: {  	s16 =	smov.u32 @p2 s2;
	p2 =	sne.s32 s11, s7  }
.Ltmp1:
0x19: {  	p1 =	slt.u32 s11, $0x2;
	(pc) =	sbr.rel @!p2 .LBB1_6-.Ltmp1, $4  }
0x1a: {  	s15 =	simm.s32 @!p1 $0x2  }
0x1b: {  	s13 =	smov.u32 s10;
	p0 =	por !p0, !p0;
	_ =	swait.ge @!p1 [sflag:s15], $0x2000  }
0x1c: {  	s12 =	smov.u32 s9;
	[sflag:s15] =	ssyncset.done @!p1 $0x0;
	s9 =	smov.u32 s14  }
0x1d: {  	s11 =	sadd.s32 $0x1, s11;
	[sflag:s15] =	ssyncadd.s32 @!p1 $0xFFFFE000;
	s10 =	smov.u32 s16  }
.LBB1_1:
0x1e: {  	p1 =	sge.u32 s11, s5  }
0x1f: {  	s14 =	sand.u32 @!p1 $0x1FFFFFF, s9  }
0x20: {  	s15 =	smulhi.u32 @!p1 $0x147AE15, s14;
	_ =	sdelay $0x1  }
0x21: {  	s15 =	smul.u32 @!p1 $0xC8, s15  }
0x22: {  	s16 =	sxor.u32 @!p1 $0xFFFFFFFF, s11;
	s17 =	smul.u32 @!p1 $0xC80, s10  }
0x23: {  	s31 =	sadd.s32 $0xFFFFFFFF, s11;
	s16 =	sshll.u32 @!p1 s16, $0xD;
	s14 =	ssub.s32 @!p1 s14, s15  }
0x24: {  	s15 =	sand.u32 @!p1 $0x2000, s16;
	s16 =	sadd.s32 @!p1 s6, s17;
	s14 =	sshll.u32 @!p1 s14, $0x4  }
0x25: {  	s17 =	simm.s32 @!p1 $0x6400;
	s14 =	sadd.s32 @!p1 s14, s16;
	s16 =	simm.s32 @!p1 $0x40  }
0x26: {  	[tilespmem:s15], [sflag:$0x1] =	stream.strided.gather @!p1 [hbm4b:s14+s16], $0x2000, s17, s16, $0x38;
	[tilespmem:$0x8080] =	vst v63  }
0x27: {  	p1 =	sge.u32 s31, s5  }
.Ltmp2:
0x28: {  	_ = 	snop;
	(pc) =	sbr.rel @p1 .LBB1_5-.Ltmp2, $1  }
0x29: {  	_ =	sdelay $0x3  }
0x2a: {  	s14 =	simm.s32 $0x1  }
0x2b: {  	_ =	swait.ge [sflag:s4], $0x2000;
	s14 =	simm.s32 @!p0 $0x0  }
0x2c: {  	[sflag:s4] =	ssyncset.done $0x0;
	s15 =	sshll.u32 s14, $0xD  }
0x2d: {  	[sflag:s4] =	ssyncadd.s32 $0xFFFFE000;
	s18 =	sor.u32 $0x20, s15  }
0x2e: {  	s14 =	smul.u32 $0x8100, s14;
	v3 =	vld [tilespmem:s18+$0x10]  }
0x2f: {  	s30 =	sand.u32 $0x1, s11;
	v2 =	vld [tilespmem:s18+$0xFFFFFFF0]  }
0x30: {  	s15 =	smul.u32 $0x8100, s30;
	s14 =	sshrl.u32 s14, $0x2;
	v0 =	vld [tilespmem:s18+$0x0]  }
0x31: {  	v1 =	vld [tilespmem:s18+$0xFFFFFFE0];
	s16 =	sor.u32 $0x4000, s14  }
0x32: {  	s31 =	sshrl.u32 s15, $0x2;
	s15 =	sadd.s32 $0x0, s16  }
0x33: {  	s17 =	simm.s32 $0x4;
	s18 =	sadd.s32 $0x40, s18;
	s14 =	sor.u32 $0x4000, s31;
	[tilespmem:s15+$0x1830 ss:$0x81] =	vst.msk $0xffff, v3  }
.LBB1_3:
0x34: {  	v3 =	vld [tilespmem:s18+$0x10];
	p1 =	sne.s32 s17, $0x1FC;
	[tilespmem:s15+$0x810 ss:$0x81] =	vst.msk $0xffff, v2;
	s19 =	smov.u32 s17;
	s17 =	sadd.s32 $0x4, s17  }
.Ltmp3:
0x35: {  	v2 =	vld [tilespmem:s18+$0xFFFFFFF0];
	[tilespmem:s15+$0x1020 ss:$0x81] =	vst.msk $0xffff, v0;
	(pc) =	sbr.rel @p1 .LBB1_3-.Ltmp3, $4  }
0x36: {  	v0 =	vld [tilespmem:s18+$0x0];
	[tilespmem:s15+$0x0 ss:$0x81] =	vst.msk $0xffff, v1  }
0x37: {  	s15 =	sshra.s32 s19, $0x2;
	v1 =	vld [tilespmem:s18+$0xFFFFFFE0]  }
0x38: {  	s15 =	sadd.s32 s15, s16  }
0x39: {  	s18 =	sadd.s32 $0x40, s18;
	[tilespmem:s15+$0x1830 ss:$0x81] =	vst.msk $0xffff, v3  }
.Ltmp4:
0x3a: {  	_ = 	snop;
	(pc) =	sbr.rel .LBB1_4-.Ltmp4, $1  }
0x3b: {  	_ =	sdelay $0x3  }
.LBB1_6:
0x3c: {  	_ =	sfence.sel $0x180000  }
0x3d: {  	s2 =	simm.s32 $0x1;
	[bflag:$0x0] =	sbarrier.arrive $0xFFFF  }
0x3e: {  	s31 =	simm.s32 $0x2;
	[sflag:s2] =	ssyncpa.u1 $0x1  }
0x3f: {  	[sflag:s31] =	ssyncpa.u1 $0x1  }
0x40: {  	p0 =	sne.s32 s0, $0x0;
	_ =	strace $0x9000004A  }
0x41: {  	s0 =	sadd.s32 @!p0 $0x100000, s1;
	[bflag:$0x2] =	sbarrier.arrive $0xFFFF  }
0x42: {  	[sflag:s0] =	ssyncadd.tile.s32 @!p0 $0x1;
	_ =	shalt  }
.Lfunc_end1:
_tile_overlayer_lowered:
.L_overlay_start_2:
0x43: {  	(tag) =	ssettag $0x2  }
0x44: {  	s0 =	rddreg [dreg:$0x0];
	s2 =	stileid.u32  }
0x45: {  	s1 =	rddreg [dreg:$0x1];
	p0 =	sne.s32 s2, $0x0  }
0x46: {  	s3 =	rddreg [dreg:$0x2];
	[bflag:$0x3] =	sbarrier.arrive $0xFFFF;
	s2 =	simm.s32 @!p0 $0x1C01  }
0x47: {  	[timem:s3], [sflag:s2] =	dma.local @!p0 [hbm:s0], s1  }
0x48: {  	s0 =	simm.s32 @!p0 $0x1  }
0x49: {  	_ =	swait.ge @!p0 [sflag:s0], s1  }
0x4a: {  	s1 =	ssub.s32 @!p0 $0x0, s1;
	[sflag:s0] =	ssyncset.done @!p0 $0x0  }
0x4b: {  	[sflag:s0] =	ssyncadd.s32 @!p0 s1  }
0x4c: {  	[bflag:$0x3] =	sbarrier.arrive $0xFFFF  }
0x4d: {  	_ =	shalt  }

</sc_bundles>
